<compile_context>
chip_gen: v7x
topology: tpu7x:2x2x1
jax: 0.10.2.dev20260603
libtpu: 0.0.44.dev20260713+nightly
codegen_flags: <defaults>
</compile_context>

<pallas_src>
import functools

import jax
import jax.numpy as jnp
from jax.experimental import pallas as pl
from jax.experimental.pallas import tpu as pltpu

_LAYERS = [(32, 3, True), (64, 3, True), (128, 3, False), (64, 1, False),
           (128, 3, True), (256, 3, False), (128, 1, False), (256, 3, True),
           (512, 3, False), (256, 1, False), (512, 3, False), (256, 1, False),
           (512, 3, True), (1024, 3, False), (512, 1, False), (1024, 3, False),
           (512, 1, False), (1024, 3, False)]
_CLS = 20
_BB = 2
_S = 7


def _bn_scale_bias(p):
    s = p['gamma'] * jax.lax.rsqrt(p['var'] + 1e-5)
    b = p['beta'] - p['mean'] * s
    return jnp.stack([s, b])


def _leaky(y):
    return jnp.where(y >= 0, y, 0.1 * y)



def _conv0_body(x_ref, w_ref, sb_ref, o_ref, *, RC, Wc, Cout):
    h = pl.program_id(1)
    r0 = h * RC
    ii = jax.lax.broadcasted_iota(jnp.int32, (Wc - 1, Wc // 2), 0)
    jj = jax.lax.broadcasted_iota(jnp.int32, (Wc - 1, Wc // 2), 1)
    E = (ii == 2 * jj).astype(jnp.float32)

    def co_body(co, carry):
        acc = jnp.zeros((RC, Wc), jnp.float32)
        for ci in range(3):
            chunk = x_ref[0, ci, pl.ds(r0, RC + 2), :]
            chunk = chunk.astype(jnp.bfloat16).astype(jnp.float32)
            for dy in range(3):
                row = chunk[dy:dy + RC]
                for dx in range(3):
                    acc = acc + row[:, dx:dx + Wc] * w_ref[co, ci * 9 + dy * 3 + dx]
        y = acc * sb_ref[0, co] + sb_ref[1, co]
        y = jnp.where(y >= 0, y, 0.1 * y)
        y = jnp.max(y.reshape(RC // 2, 2, Wc), axis=1)
        y = jnp.maximum(y[:, :Wc - 1], y[:, 1:])
        o_ref[0, pl.ds(co, 1)] = jnp.dot(y, E,
                                         preferred_element_type=jnp.float32, precision=jax.lax.Precision.HIGHEST)[None]
        return carry

    jax.lax.fori_loop(0, Cout, co_body, 0)


def _conv0(x, w, sb):
    N, _, Hc, Wc = x.shape
    Cout = w.shape[0]
    xp = jnp.pad(x, ((0, 0), (0, 0), (1, 1), (1, 1)))
    BH = 64
    HT = Hc // BH
    body = functools.partial(_conv0_body, RC=BH, Wc=Wc, Cout=Cout)
    return pl.pallas_call(
        body,
        grid=(N, HT),
        in_specs=[
            pl.BlockSpec((1, 3, Hc + 2, Wc + 2), lambda n, h: (n, 0, 0, 0)),
            pl.BlockSpec(memory_space=pltpu.SMEM),
            pl.BlockSpec(memory_space=pltpu.SMEM),
        ],
        out_specs=pl.BlockSpec((1, Cout, BH // 2, Wc // 2),
                               lambda n, h: (n, 0, h, 0)),
        out_shape=jax.ShapeDtypeStruct((N, Cout, Hc // 2, Wc // 2),
                                       jnp.float32),
    )(xp, w.reshape(Cout, 27).astype(jnp.bfloat16).astype(jnp.float32), sb)



def _conv3_body(x_ref, w_ref, sb_ref, o_ref, *, RC, Wc, Cin, BCO, pool,
                split=False):
    h = pl.program_id(1)
    r0 = h * RC
    acc = None
    for dy in range(3):
        rows = x_ref[0, pl.ds(r0 + dy, RC)]
        xcat = jnp.concatenate([rows[:, dx:dx + Wc, :] for dx in range(3)],
                               axis=2).reshape(RC * Wc, 3 * Cin)
        if split:
            xh = xcat.astype(jnp.bfloat16)
            xl = (xcat - xh.astype(jnp.float32)).astype(jnp.bfloat16)
            part = (jnp.dot(xh, w_ref[dy], preferred_element_type=jnp.float32)
                    + jnp.dot(xl, w_ref[dy],
                              preferred_element_type=jnp.float32))
        else:
            part = jnp.dot(xcat, w_ref[dy],
                           preferred_element_type=jnp.float32)
        acc = part if acc is None else acc + part
    y = _leaky(acc * sb_ref[0:1, :] + sb_ref[1:2, :]).astype(o_ref.dtype)
    if pool:
        y = jnp.max(y.reshape(RC // 2, 2, Wc, BCO), axis=1)
        y = jnp.max(y.reshape(RC // 2, Wc // 2, 2, BCO), axis=2)
        o_ref[0] = y
    else:
        o_ref[0] = y.reshape(RC, Wc, BCO)


def _conv3_halo_body(xa_ref, xb_ref, w_ref, sb_ref, o_ref, *, RC, Wc, Cin,
                     BCO, pool):
    xa = xa_ref[0]
    acc = None
    for dy in range(3):
        if dy == 0:
            rows = xa
        else:
            rows = jnp.concatenate([xa[dy:], xb_ref[0, :dy]], axis=0)
        xcat = jnp.concatenate([rows[:, dx:dx + Wc, :] for dx in range(3)],
                               axis=2)
        part = jnp.dot(xcat.reshape(RC * Wc, 3 * Cin), w_ref[dy],
                       preferred_element_type=jnp.float32)
        acc = part if acc is None else acc + part
    y = _leaky(acc * sb_ref[0:1, :] + sb_ref[1:2, :]).astype(o_ref.dtype)
    if pool:
        y = jnp.max(y.reshape(RC // 2, 2, Wc, BCO), axis=1)
        y = jnp.max(y.reshape(RC // 2, Wc // 2, 2, BCO), axis=2)
        o_ref[0] = y
    else:
        o_ref[0] = y.reshape(RC, Wc, BCO)


def _conv3x3(x, wT, sb, pool, exact=False):
    N, Hc, Wc, Cin = x.shape
    Cout = wT.shape[2]
    if exact:
        x = x.astype(jnp.float32)
    xp = jnp.pad(x, ((0, 0), (1, 1), (1, 1), (0, 0)))
    cands = [d for d in range(Hc, 0, -1)
             if Hc % d == 0 and (not pool or d % 2 == 0)]
    budget = 2.5e6 if 3 * Cin >= 128 else 5.0e6
    BH = next((d for d in cands
               if d * Wc * max(3 * Cin, 128) * 4 <= budget), cands[-1])
    HT = Hc // BH
    wbytes = wT.size * 4
    CT = 4 if wbytes > 20e6 else (2 if wbytes > 10e6 else 1)
    BCO = Cout // CT
    BHO, Ho, Wo = (BH // 2, Hc // 2, Wc // 2) if pool else (BH, Hc, Wc)
    halo = Hc * (Wc + 2) * max(Cin, 128) * 4 > 12e6
    if halo:
        xp = jnp.pad(xp, ((0, 0), (0, (HT + 1) * BH - (Hc + 2)), (0, 0),
                          (0, 0)))
        body = functools.partial(_conv3_halo_body, RC=BH, Wc=Wc, Cin=Cin,
                                 BCO=BCO, pool=pool)
        in_specs = [
            pl.BlockSpec((1, BH, Wc + 2, Cin), lambda n, h, c: (n, h, 0, 0)),
            pl.BlockSpec((1, BH, Wc + 2, Cin),
                         lambda n, h, c: (n, h + 1, 0, 0)),
        ]
        args = (xp, xp, wT, sb)
    else:
        body = functools.partial(_conv3_body, RC=BH, Wc=Wc, Cin=Cin, BCO=BCO,
                                 pool=pool, split=exact)
        in_specs = [
            pl.BlockSpec((1, Hc + 2, Wc + 2, Cin),
                         lambda n, h, c: (n, 0, 0, 0)),
        ]
        args = (xp, wT, sb)
    in_specs += [
        pl.BlockSpec((3, 3 * Cin, BCO), lambda n, h, c: (0, 0, c)),
        pl.BlockSpec((2, BCO), lambda n, h, c: (0, c)),
    ]
    return pl.pallas_call(
        body,
        grid=(N, HT, CT),
        in_specs=in_specs,
        out_specs=pl.BlockSpec((1, BHO, Wo, BCO), lambda n, h, c: (n, h, 0, c)),
        out_shape=jax.ShapeDtypeStruct(
            (N, Ho, Wo, Cout), jnp.float32 if exact else jnp.bfloat16),
    )(*args)



def _mm1x1_body(x_ref, w_ref, sb_ref, o_ref, *, split=False):
    xv = x_ref[...]
    if split:
        xh = xv.astype(jnp.bfloat16)
        xl = (xv - xh.astype(jnp.float32)).astype(jnp.bfloat16)
        y = (jnp.dot(xh, w_ref[...], preferred_element_type=jnp.float32)
             + jnp.dot(xl, w_ref[...], preferred_element_type=jnp.float32))
    else:
        y = jnp.dot(xv, w_ref[...], preferred_element_type=jnp.float32)
    o_ref[...] = _leaky(y * sb_ref[0:1, :] + sb_ref[1:2, :]).astype(o_ref.dtype)


def _conv1x1(x, wT, sb, exact=False):
    if exact:
        x = x.astype(jnp.float32)
    N, H, W, Cin = x.shape
    Cout = wT.shape[1]
    R = N * H * W
    BM = next((c for c in (3136, 1568, 784, 392, 196)
               if R % c == 0 and c * Cin * 4 <= 2.5e6), R)
    xr = x.reshape(R, Cin)
    out = pl.pallas_call(
        functools.partial(_mm1x1_body, split=exact),
        grid=(R // BM,),
        in_specs=[
            pl.BlockSpec((BM, Cin), lambda m: (m, 0)),
            pl.BlockSpec((Cin, Cout), lambda m: (0, 0)),
            pl.BlockSpec((2, Cout), lambda m: (0, 0)),
        ],
        out_specs=pl.BlockSpec((BM, Cout), lambda m: (m, 0)),
        out_shape=jax.ShapeDtypeStruct(
            (R, Cout), jnp.float32 if exact else jnp.bfloat16),
    )(xr, wT, sb)
    return out.reshape(N, H, W, Cout)



def _local0_body(x_ref, w_ref, sb_ref, o_ref, *, C4, BCO):
    acc = None
    for bi in range(2):
        for bj in range(2):
            xs = x_ref[:, bi:bi + _S, bj:bj + _S, :].reshape(2 * _S * _S, C4)
            xh = xs.astype(jnp.bfloat16)
            xl = (xs - xh.astype(jnp.float32)).astype(jnp.bfloat16)
            part = (jnp.dot(xh, w_ref[bi * 2 + bj],
                            preferred_element_type=jnp.float32)
                    + jnp.dot(xl, w_ref[bi * 2 + bj],
                              preferred_element_type=jnp.float32))
            acc = part if acc is None else acc + part
    y = _leaky(acc * sb_ref[0:1, :] + sb_ref[1:2, :])
    o_ref[...] = y.reshape(2, _S, _S, BCO).astype(o_ref.dtype)


def _local0(x, w, sb):
    x = x.astype(jnp.float32)
    N, H, W, Cin = x.shape
    Cout = w.shape[0]
    C4 = 4 * Cin
    x2 = x.reshape(N, _S, 2, _S, 2, Cin).transpose(0, 1, 3, 2, 4, 5)
    x2 = x2.reshape(N, _S, _S, C4)
    x2p = jnp.pad(x2, ((0, 0), (1, 0), (1, 0), (0, 0)))
    w = w.astype(jnp.bfloat16)
    W2 = jnp.zeros((2, 2, 2, 2, Cin, Cout), jnp.bfloat16)
    for dy in range(3):
        for dx in range(3):
            bi, py = (dy + 1) // 2, (dy + 1) % 2
            bj, px = (dx + 1) // 2, (dx + 1) % 2
            W2 = W2.at[bi, bj, py, px].set(w[:, :, dy, dx].T)
    W2 = W2.transpose(0, 1, 2, 3, 4, 5).reshape(2, 2, C4, Cout)
    W2 = W2.reshape(4, C4, Cout)
    CT = 4
    BCO = Cout // CT
    body = functools.partial(_local0_body, C4=C4, BCO=BCO)
    return pl.pallas_call(
        body,
        grid=(CT,),
        in_specs=[
            pl.BlockSpec((N, _S + 1, _S + 1, C4), lambda c: (0, 0, 0, 0)),
            pl.BlockSpec((4, C4, BCO), lambda c: (0, 0, c)),
            pl.BlockSpec((2, BCO), lambda c: (0, c)),
        ],
        out_specs=pl.BlockSpec((N, _S, _S, BCO), lambda c: (0, 0, 0, c)),
        out_shape=jax.ShapeDtypeStruct((N, _S, _S, Cout), jnp.float32),
    )(x2p, W2, sb)



def _fc_body(a_ref, w_ref, b_ref, o_ref, *, KT, leaky):
    k = pl.program_id(1)

    @pl.when(k == 0)
    def _init():
        o_ref[...] = jnp.zeros_like(o_ref)

    av = a_ref[...]
    ah = av.astype(jnp.bfloat16)
    al = (av - ah.astype(jnp.float32)).astype(jnp.bfloat16)
    wv = w_ref[...].astype(jnp.bfloat16)
    dn = (((1,), (1,)), ((), ()))
    o_ref[...] += (jax.lax.dot_general(ah, wv, dn,
                                       preferred_element_type=jnp.float32)
                   + jax.lax.dot_general(al, wv, dn,
                                         preferred_element_type=jnp.float32))

    @pl.when(k == KT - 1)
    def _fin():
        y = o_ref[...] + b_ref[...]
        o_ref[...] = _leaky(y) if leaky else y


def _fc(a, W, b, BO, BK, leaky):
    M, K = a.shape
    O = W.shape[0]
    OT, KT = O // BO, K // BK
    body = functools.partial(_fc_body, KT=KT, leaky=leaky)
    return pl.pallas_call(
        body,
        grid=(OT, KT),
        in_specs=[
            pl.BlockSpec((M, BK), lambda o, k: (0, k)),
            pl.BlockSpec((BO, BK), lambda o, k: (o, k)),
            pl.BlockSpec((1, BO), lambda o, k: (0, o)),
        ],
        out_specs=pl.BlockSpec((M, BO), lambda o, k: (0, o)),
        out_shape=jax.ShapeDtypeStruct((M, O), jnp.float32),
    )(a, W, b.reshape(1, O))



def kernel(x, target, params):
    del target
    N = x.shape[0]
    out = jnp.transpose(x.astype(jnp.bfloat16), (0, 2, 3, 1))
    for i, (p, (out_c, k, pool)) in enumerate(zip(params['darknet'],
                                                  _LAYERS)):
        sb = _bn_scale_bias(p)
        w = p['w']
        exact = i >= 13
        if k == 3:
            cin = w.shape[1]
            wT = w.astype(jnp.bfloat16).transpose(2, 3, 1, 0)
            wT = wT.reshape(3, 3 * cin, out_c)
            out = _conv3x3(out, wT, sb, pool, exact=exact)
        else:
            wT = w.astype(jnp.bfloat16).reshape(out_c, w.shape[1]).T
            out = _conv1x1(out, wT, sb, exact=exact)
    lp = params['local']
    out = _local0(out, lp[0]['w'], _bn_scale_bias(lp[0]))
    for p in lp[1:]:
        cin = p['w'].shape[1]
        wT = p['w'].astype(jnp.bfloat16).transpose(2, 3, 1, 0)
        wT = wT.reshape(3, 3 * cin, 1024)
        out = _conv3x3(out, wT, _bn_scale_bias(p), False, exact=True)
    flat = jnp.transpose(out, (0, 3, 1, 2)).reshape(N, -1).astype(jnp.float32)
    h = _fc(flat, params['reg_W'], params['reg_b'], BO=256, BK=1792,
            leaky=True)
    headW = jnp.concatenate([params['cls_W'], params['resp_W'],
                             params['off_W'],
                             jnp.zeros((66, 4096), jnp.float32)], axis=0)
    headb = jnp.concatenate([params['cls_b'], params['resp_b'],
                             params['off_b'],
                             jnp.zeros((66,), jnp.float32)], axis=0)
    hy = _fc(h, headW, headb, BO=256, BK=4096, leaky=False)
    hy = hy[:, :1470]
    n_cls = _CLS * _S * _S
    n_resp = _BB * _S * _S
    pred_cls = hy[:, :n_cls].reshape(N, _CLS, _S, _S)
    pred_response = hy[:, n_cls:n_cls + n_resp].reshape(N, _BB, _S, _S)
    pred_bbox = hy[:, n_cls + n_resp:].reshape(N, _BB * 4, _S, _S)
    return (pred_cls, pred_response, pred_bbox)

# --- scband reference (transcript-rebuilt; emitter-appended) ---
"""Pipeline reference for scband-yolo-2911987827429 (READ-ONLY COPY).

The authoritative reference and input builder live on the scoring server;
editing this copy changes nothing except your own understanding.
"""

import jax, jax.numpy as jnp
import numpy as np

LAYER_CONFIGS = [(32, 3, True), (64, 3, True), (128, 3, False), (64, 1, False), (128, 3, True), (256, 3, False), (128, 1, False), (256, 3, True), (512, 3, False), (256, 1, False), (512, 3, False), (256, 1, False), (512, 3, True), (1024, 3, False), (512, 1, False), (1024, 3, False), (512, 1, False), (1024, 3, False)]
CLS_NUM = 20
BBOX_NUM = 2
S = 7


def _conv(x, w, stride, pad):
    return jax.lax.conv_general_dilated(x, w, (stride, stride), [(pad, pad), (pad, pad)], dimension_numbers=('NCHW', 'OIHW', 'NCHW'))


def _bn(x, p):
    g = p['gamma'][None, :, None, None]
    b = p['beta'][None, :, None, None]
    m = p['mean'][None, :, None, None]
    v = p['var'][None, :, None, None]
    return (x - m) / jnp.sqrt(v + 1e-5) * g + b


def _leaky(x):
    return jnp.where(x >= 0, x, 0.1 * x)


def _maxpool2(x):
    return jax.lax.reduce_window(x, -jnp.inf, jax.lax.max, (1, 1, 2, 2), (1, 1, 2, 2), 'VALID')


def _conv_block(x, p, k, stride, pool):
    pad = 1 if k == 3 else 0
    out = _leaky(_bn(_conv(x, p['w'], stride, pad), p))
    if pool:
        out = _maxpool2(out)
    return out


def _make_block(key, in_c, out_c, k):
    w = jax.random.normal(key, (out_c, in_c, k, k), jnp.float32) * np.sqrt(2.0 / (in_c * k * k)).astype(np.float32)
    return {'w': w, 'gamma': jnp.ones((out_c,), jnp.float32), 'beta': jnp.zeros((out_c,), jnp.float32), 'mean': jnp.zeros((out_c,), jnp.float32), 'var': jnp.ones((out_c,), jnp.float32)}


def _make_linear(key, in_f, out_f):
    W = jax.random.normal(key, (out_f, in_f), jnp.float32) * np.sqrt(2.0 / in_f).astype(np.float32)
    b = jnp.zeros((out_f,), jnp.float32)
    return W, b


def setup_inputs(seed: int = 0):
    key = jax.random.key(seed)
    x = jax.random.normal(jax.random.fold_in(key, 1), (2, 3, 448, 448), jnp.float32)
    target = jnp.zeros((2, 7, 7, 5 * BBOX_NUM + CLS_NUM), jnp.float32)
    dk = []
    in_c = 3
    for i, (out_c, k, pool) in enumerate(LAYER_CONFIGS):
        dk.append(_make_block(jax.random.fold_in(key, 100 + i), in_c, out_c, k))
        in_c = out_c
    local = []
    for i in range(4):
        local.append(_make_block(jax.random.fold_in(key, 200 + i), 1024, 1024, 3))
    reg_W, reg_b = _make_linear(jax.random.fold_in(key, 300), 1024 * S * S, 4096)
    cls_W, cls_b = _make_linear(jax.random.fold_in(key, 301), 4096, CLS_NUM * S * S)
    resp_W, resp_b = _make_linear(jax.random.fold_in(key, 302), 4096, BBOX_NUM * S * S)
    off_W, off_b = _make_linear(jax.random.fold_in(key, 303), 4096, BBOX_NUM * 4 * S * S)
    params = {'darknet': dk, 'local': local, 'reg_W': reg_W, 'reg_b': reg_b, 'cls_W': cls_W, 'cls_b': cls_b, 'resp_W': resp_W, 'resp_b': resp_b, 'off_W': off_W, 'off_b': off_b}
    return {'x': x, 'target': target, 'params': params}


def _forward(x, params):
    out = x
    for p, (out_c, k, pool) in zip(params['darknet'], LAYER_CONFIGS):
        out = _conv_block(out, p, k, 1, pool)
    strides = [2, 1, 1, 1]
    for p, s in zip(params['local'], strides):
        out = _conv_block(out, p, 3, s, False)
    B = out.shape[0]
    out = out.reshape(B, -1)
    h = _leaky(out @ params['reg_W'].T + params['reg_b'])
    pred_cls = (h @ params['cls_W'].T + params['cls_b']).reshape(B, CLS_NUM, S, S)
    pred_response = (h @ params['resp_W'].T + params['resp_b']).reshape(B, BBOX_NUM, S, S)
    pred_bbox = (h @ params['off_W'].T + params['off_b']).reshape(B, BBOX_NUM * 4, S, S)
    return (pred_cls, pred_response, pred_bbox)


def reference(x, target, params):
    return _forward(x, params)

if __name__ == "__main__":
    import jax
    _d = setup_inputs()
    print(jax.jit(kernel)(*tuple(_d.values())))

</pallas_src>

<mosaic_0001>
module attributes {stable_mosaic.version = 14 : i64} {
  func.func @_conv3_halo_body(%arg0: i32, %arg1: i32, %arg2: i32, %arg3: memref<1x16x450x3xbf16, #tpu.memory_space<vmem>>, %arg4: memref<1x16x450x3xbf16, #tpu.memory_space<vmem>>, %arg5: memref<3x9x32xbf16, #tpu.memory_space<vmem>>, %arg6: memref<2x32xf32, #tpu.memory_space<vmem>>, %arg7: memref<1x8x224x32xbf16, #tpu.memory_space<vmem>>) attributes {dimension_semantics = [#tpu.dimension_semantics<arbitrary>, #tpu.dimension_semantics<arbitrary>, #tpu.dimension_semantics<arbitrary>], iteration_bounds = array<i64: 2, 28, 1>, scalar_prefetch = 0 : i64, scratch_operands = 0 : i64, tpu.core_type = #tpu.core_type<tc>, window_params = [{transform_indices = @transform_0, window_bounds = array<i64: 1, 16, 450, 3>}, {transform_indices = @transform_1, window_bounds = array<i64: 1, 16, 450, 3>}, {transform_indices = @transform_2, window_bounds = array<i64: 3, 9, 32>}, {transform_indices = @transform_3, window_bounds = array<i64: 2, 32>}, {transform_indices = @transform_4, window_bounds = array<i64: 1, 8, 224, 32>}]} {
    %get3A = arith.constant 0 : index
    %get3A_0 = arith.constant 0 : index
    %get3A_1 = arith.constant 0 : index
    %get3A_2 = arith.constant 0 : index
    %get3A_3 = vector.load %arg3[%get3A, %get3A_0, %get3A_1, %get3A_2] : memref<1x16x450x3xbf16, #tpu.memory_space<vmem>>, vector<1x16x450x3xbf16>
    %get3A_4 = vector.shape_cast %get3A_3 : vector<1x16x450x3xbf16> to vector<16x450x3xbf16>
    %slice3A = vector.extract_strided_slice %get3A_4 {offsets = [0, 0, 0], sizes = [16, 448, 3], strides = [1, 1, 1]} : vector<16x450x3xbf16> to vector<16x448x3xbf16>
    %slice3A_5 = vector.extract_strided_slice %get3A_4 {offsets = [0, 1, 0], sizes = [16, 448, 3], strides = [1, 1, 1]} : vector<16x450x3xbf16> to vector<16x448x3xbf16>
    %slice3A_6 = vector.extract_strided_slice %get3A_4 {offsets = [0, 2, 0], sizes = [16, 448, 3], strides = [1, 1, 1]} : vector<16x450x3xbf16> to vector<16x448x3xbf16>
    %concatenate3A = tpu.concatenate %slice3A, %slice3A_5, %slice3A_6 in 2 : vector<16x448x3xbf16>, vector<16x448x3xbf16>, vector<16x448x3xbf16> -> vector<16x448x9xbf16>
    %reshape3A = vector.shape_cast %concatenate3A : vector<16x448x9xbf16> to vector<7168x9xbf16>
    %get3A_7 = arith.constant 0 : index
    %get3A_8 = arith.constant 0 : index
    %get3A_9 = arith.constant 0 : index
    %get3A_10 = vector.load %arg5[%get3A_7, %get3A_8, %get3A_9] : memref<3x9x32xbf16, #tpu.memory_space<vmem>>, vector<1x9x32xbf16>
    %get3A_11 = vector.shape_cast %get3A_10 : vector<1x9x32xbf16> to vector<9x32xbf16>
    %dot_general3A = arith.constant dense<0.000000e+00> : vector<7168x32xf32>
    %dot_general3A_12 = tpu.matmul %reshape3A, %get3A_11, %dot_general3A {dimension_numbers = #tpu.dot_dimension_numbers<[1], [0], [0], [1], [0, 0, 1, 1], [], []>, transpose_lhs_hint = false} : vector<7168x9xbf16>, vector<9x32xbf16>, vector<7168x32xf32> -> vector<7168x32xf32>
    %slice3A_13 = vector.extract_strided_slice %get3A_4 {offsets = [1, 0, 0], sizes = [15, 450, 3], strides = [1, 1, 1]} : vector<16x450x3xbf16> to vector<15x450x3xbf16>
    %get3A_14 = arith.constant 0 : index
    %get3A_15 = arith.constant 0 : index
    %get3A_16 = arith.constant 0 : index
    %get3A_17 = arith.constant 0 : index
    %get3A_18 = vector.load %arg4[%get3A_14, %get3A_15, %get3A_16, %get3A_17] : memref<1x16x450x3xbf16, #tpu.memory_space<vmem>>, vector<1x1x450x3xbf16>
    %get3A_19 = vector.shape_cast %get3A_18 : vector<1x1x450x3xbf16> to vector<1x450x3xbf16>
    %concatenate3A_20 = tpu.concatenate %slice3A_13, %get3A_19 in 0 : vector<15x450x3xbf16>, vector<1x450x3xbf16> -> vector<16x450x3xbf16>
    %slice3A_21 = vector.extract_strided_slice %concatenate3A_20 {offsets = [0, 0, 0], sizes = [16, 448, 3], strides = [1, 1, 1]} : vector<16x450x3xbf16> to vector<16x448x3xbf16>
    %slice3A_22 = vector.extract_strided_slice %concatenate3A_20 {offsets = [0, 1, 0], sizes = [16, 448, 3], strides = [1, 1, 1]} : vector<16x450x3xbf16> to vector<16x448x3xbf16>
    %slice3A_23 = vector.extract_strided_slice %concatenate3A_20 {offsets = [0, 2, 0], sizes = [16, 448, 3], strides = [1, 1, 1]} : vector<16x450x3xbf16> to vector<16x448x3xbf16>
    %concatenate3A_24 = tpu.concatenate %slice3A_21, %slice3A_22, %slice3A_23 in 2 : vector<16x448x3xbf16>, vector<16x448x3xbf16>, vector<16x448x3xbf16> -> vector<16x448x9xbf16>
    %reshape3A_25 = vector.shape_cast %concatenate3A_24 : vector<16x448x9xbf16> to vector<7168x9xbf16>
    %get3A_26 = arith.constant 1 : index
    %get3A_27 = arith.constant 0 : index
    %get3A_28 = arith.constant 0 : index
    %get3A_29 = vector.load %arg5[%get3A_26, %get3A_27, %get3A_28] : memref<3x9x32xbf16, #tpu.memory_space<vmem>>, vector<1x9x32xbf16>
    %get3A_30 = vector.shape_cast %get3A_29 : vector<1x9x32xbf16> to vector<9x32xbf16>
    %dot_general3A_31 = arith.constant dense<0.000000e+00> : vector<7168x32xf32>
    %dot_general3A_32 = tpu.matmul %reshape3A_25, %get3A_30, %dot_general3A_31 {dimension_numbers = #tpu.dot_dimension_numbers<[1], [0], [0], [1], [0, 0, 1, 1], [], []>, transpose_lhs_hint = false} : vector<7168x9xbf16>, vector<9x32xbf16>, vector<7168x32xf32> -> vector<7168x32xf32>
    %add3A = arith.addf %dot_general3A_12, %dot_general3A_32 : vector<7168x32xf32>
    %slice3A_33 = vector.extract_strided_slice %get3A_4 {offsets = [2, 0, 0], sizes = [14, 450, 3], strides = [1, 1, 1]} : vector<16x450x3xbf16> to vector<14x450x3xbf16>
    %get3A_34 = arith.constant 0 : index
    %get3A_35 = arith.constant 0 : index
    %get3A_36 = arith.constant 0 : index
    %get3A_37 = arith.constant 0 : index
    %get3A_38 = vector.load %arg4[%get3A_34, %get3A_35, %get3A_36, %get3A_37] : memref<1x16x450x3xbf16, #tpu.memory_space<vmem>>, vector<1x2x450x3xbf16>
    %get3A_39 = vector.shape_cast %get3A_38 : vector<1x2x450x3xbf16> to vector<2x450x3xbf16>
    %concatenate3A_40 = tpu.concatenate %slice3A_33, %get3A_39 in 0 : vector<14x450x3xbf16>, vector<2x450x3xbf16> -> vector<16x450x3xbf16>
    %slice3A_41 = vector.extract_strided_slice %concatenate3A_40 {offsets = [0, 0, 0], sizes = [16, 448, 3], strides = [1, 1, 1]} : vector<16x450x3xbf16> to vector<16x448x3xbf16>
    %slice3A_42 = vector.extract_strided_slice %concatenate3A_40 {offsets = [0, 1, 0], sizes = [16, 448, 3], strides = [1, 1, 1]} : vector<16x450x3xbf16> to vector<16x448x3xbf16>
    %slice3A_43 = vector.extract_strided_slice %concatenate3A_40 {offsets = [0, 2, 0], sizes = [16, 448, 3], strides = [1, 1, 1]} : vector<16x450x3xbf16> to vector<16x448x3xbf16>
    %concatenate3A_44 = tpu.concatenate %slice3A_41, %slice3A_42, %slice3A_43 in 2 : vector<16x448x3xbf16>, vector<16x448x3xbf16>, vector<16x448x3xbf16> -> vector<16x448x9xbf16>
    %reshape3A_45 = vector.shape_cast %concatenate3A_44 : vector<16x448x9xbf16> to vector<7168x9xbf16>
    %get3A_46 = arith.constant 2 : index
    %get3A_47 = arith.constant 0 : index
    %get3A_48 = arith.constant 0 : index
    %get3A_49 = vector.load %arg5[%get3A_46, %get3A_47, %get3A_48] : memref<3x9x32xbf16, #tpu.memory_space<vmem>>, vector<1x9x32xbf16>
    %get3A_50 = vector.shape_cast %get3A_49 : vector<1x9x32xbf16> to vector<9x32xbf16>
    %dot_general3A_51 = arith.constant dense<0.000000e+00> : vector<7168x32xf32>
    %dot_general3A_52 = tpu.matmul %reshape3A_45, %get3A_50, %dot_general3A_51 {dimension_numbers = #tpu.dot_dimension_numbers<[1], [0], [0], [1], [0, 0, 1, 1], [], []>, transpose_lhs_hint = false} : vector<7168x9xbf16>, vector<9x32xbf16>, vector<7168x32xf32> -> vector<7168x32xf32>
    %add3A_53 = arith.addf %add3A, %dot_general3A_52 : vector<7168x32xf32>
    %get3A_54 = arith.constant 0 : index
    %get3A_55 = arith.constant 0 : index
    %get3A_56 = vector.load %arg6[%get3A_54, %get3A_55] : memref<2x32xf32, #tpu.memory_space<vmem>>, vector<1x32xf32>
    %mul3A = vector.broadcast %get3A_56 : vector<1x32xf32> to vector<7168x32xf32>
    %mul3A_57 = arith.mulf %add3A_53, %mul3A : vector<7168x32xf32>
    %get3A_58 = arith.constant 1 : index
    %get3A_59 = arith.constant 0 : index
    %get3A_60 = vector.load %arg6[%get3A_58, %get3A_59] : memref<2x32xf32, #tpu.memory_space<vmem>>, vector<1x32xf32>
    %add3A_61 = vector.broadcast %get3A_60 : vector<1x32xf32> to vector<7168x32xf32>
    %add3A_62 = arith.addf %mul3A_57, %add3A_61 : vector<7168x32xf32>
    %ge3A = arith.constant 0.000000e+00 : f32
    %ge3A_63 = vector.broadcast %ge3A : f32 to vector<7168x32xf32>
    %ge3A_64 = arith.cmpf oge, %add3A_62, %ge3A_63 : vector<7168x32xf32>
    %mul3A_65 = arith.constant 1.000000e-01 : f32
    %mul3A_66 = vector.broadcast %mul3A_65 : f32 to vector<7168x32xf32>
    %mul3A_67 = arith.mulf %mul3A_66, %add3A_62 : vector<7168x32xf32>
    %select_n3A = arith.select %ge3A_64, %add3A_62, %mul3A_67 : vector<7168x32xi1>, vector<7168x32xf32>
    %convert_element_type3A = arith.truncf %select_n3A : vector<7168x32xf32> to vector<7168x32xbf16>
    %reshape3A_68 = vector.shape_cast %convert_element_type3A : vector<7168x32xbf16> to vector<8x2x448x32xbf16>
    %reduce_max3A = arith.constant dense<0xFF80> : vector<8x448x32xbf16>
    %reduce_max3A_69 = vector.multi_reduction <maximumf>, %reshape3A_68, %reduce_max3A [1] : vector<8x2x448x32xbf16> to vector<8x448x32xbf16>
    %reshape3A_70 = vector.shape_cast %reduce_max3A_69 : vector<8x448x32xbf16> to vector<8x224x2x32xbf16>
    %reduce_max3A_71 = arith.constant dense<0xFF80> : vector<8x224x32xbf16>
    %reduce_max3A_72 = vector.multi_reduction <maximumf>, %reshape3A_70, %reduce_max3A_71 [2] : vector<8x224x2x32xbf16> to vector<8x224x32xbf16>
    %swap3A = arith.constant 0 : index
    %swap3A_73 = arith.constant 0 : index
    %swap3A_74 = arith.constant 0 : index
    %swap3A_75 = arith.constant 0 : index
    %swap3A_76 = vector.load %arg7[%swap3A, %swap3A_73, %swap3A_74, %swap3A_75] : memref<1x8x224x32xbf16, #tpu.memory_space<vmem>>, vector<1x8x224x32xbf16>
    %swap3A_77 = vector.shape_cast %swap3A_76 : vector<1x8x224x32xbf16> to vector<8x224x32xbf16>
    %swap3A_78 = vector.shape_cast %reduce_max3A_72 : vector<8x224x32xbf16> to vector<1x8x224x32xbf16>
    tpu.vector_store %arg7[%swap3A, %swap3A_73, %swap3A_74, %swap3A_75], %swap3A_78 {strides = array<i32>} : memref<1x8x224x32xbf16, #tpu.memory_space<vmem>>, vector<1x8x224x32xbf16>,
    return
  }
  func.func @transform_0(%arg0: i32, %arg1: i32, %arg2: i32) -> (i32, i32, i32, i32) {
    %c0_i32 = arith.constant 0 : i32
    %c0_i32_0 = arith.constant 0 : i32
    %c0_i32_1 = arith.constant 0 : i32
    return %arg0, %arg1, %c0_i32, %c0_i32_0 : i32, i32, i32, i32
  }
  func.func @transform_1(%arg0: i32, %arg1: i32, %arg2: i32) -> (i32, i32, i32, i32) {
    %add3A = arith.constant 1 : i32
    %add3A_0 = arith.addi %arg1, %add3A : i32
    %c0_i32 = arith.constant 0 : i32
    %c0_i32_1 = arith.constant 0 : i32
    %c0_i32_2 = arith.constant 0 : i32
    return %arg0, %add3A_0, %c0_i32, %c0_i32_1 : i32, i32, i32, i32
  }
  func.func @transform_2(%arg0: i32, %arg1: i32, %arg2: i32) -> (i32, i32, i32) {
    %c0_i32 = arith.constant 0 : i32
    %c0_i32_0 = arith.constant 0 : i32
    %c0_i32_1 = arith.constant 0 : i32
    return %c0_i32, %c0_i32_0, %arg2 : i32, i32, i32
  }
  func.func @transform_3(%arg0: i32, %arg1: i32, %arg2: i32) -> (i32, i32) {
    %c0_i32 = arith.constant 0 : i32
    %c0_i32_0 = arith.constant 0 : i32
    return %c0_i32, %arg2 : i32, i32
  }
  func.func @transform_4(%arg0: i32, %arg1: i32, %arg2: i32) -> (i32, i32, i32, i32) {
    %c0_i32 = arith.constant 0 : i32
    %c0_i32_0 = arith.constant 0 : i32
    return %arg0, %arg1, %c0_i32, %arg2 : i32, i32, i32, i32
  }
}

module attributes {stable_mosaic.version = 14 : i64} {
  func.func @_conv3_halo_body(%arg0: i32, %arg1: i32, %arg2: i32, %arg3: memref<1x32x226x32xbf16, #tpu.memory_space<vmem>>, %arg4: memref<1x32x226x32xbf16, #tpu.memory_space<vmem>>, %arg5: memref<3x96x64xbf16, #tpu.memory_space<vmem>>, %arg6: memref<2x64xf32, #tpu.memory_space<vmem>>, %arg7: memref<1x16x112x64xbf16, #tpu.memory_space<vmem>>) attributes {dimension_semantics = [#tpu.dimension_semantics<arbitrary>, #tpu.dimension_semantics<arbitrary>, #tpu.dimension_semantics<arbitrary>], iteration_bounds = array<i64: 2, 7, 1>, scalar_prefetch = 0 : i64, scratch_operands = 0 : i64, tpu.core_type = #tpu.core_type<tc>, window_params = [{transform_indices = @transform_0, window_bounds = array<i64: 1, 32, 226, 32>}, {transform_indices = @transform_1, window_bounds = array<i64: 1, 32, 226, 32>}, {transform_indices = @transform_2, window_bounds = array<i64: 3, 96, 64>}, {transform_indices = @transform_3, window_bounds = array<i64: 2, 64>}, {transform_indices = @transform_4, window_bounds = array<i64: 1, 16, 112, 64>}]} {
    %get3A = arith.constant 0 : index
    %get3A_0 = arith.constant 0 : index
    %get3A_1 = arith.constant 0 : index
    %get3A_2 = arith.constant 0 : index
    %get3A_3 = vector.load %arg3[%get3A, %get3A_0, %get3A_1, %get3A_2] : memref<1x32x226x32xbf16, #tpu.memory_space<vmem>>, vector<1x32x226x32xbf16>
    %get3A_4 = vector.shape_cast %get3A_3 : vector<1x32x226x32xbf16> to vector<32x226x32xbf16>
    %slice3A = vector.extract_strided_slice %get3A_4 {offsets = [0, 0, 0], sizes = [32, 224, 32], strides = [1, 1, 1]} : vector<32x226x32xbf16> to vector<32x224x32xbf16>
    %slice3A_5 = vector.extract_strided_slice %get3A_4 {offsets = [0, 1, 0], sizes = [32, 224, 32], strides = [1, 1, 1]} : vector<32x226x32xbf16> to vector<32x224x32xbf16>
    %slice3A_6 = vector.extract_strided_slice %get3A_4 {offsets = [0, 2, 0], sizes = [32, 224, 32], strides = [1, 1, 1]} : vector<32x226x32xbf16> to vector<32x224x32xbf16>
    %concatenate3A = tpu.concatenate %slice3A, %slice3A_5, %slice3A_6 in 2 : vector<32x224x32xbf16>, vector<32x224x32xbf16>, vector<32x224x32xbf16> -> vector<32x224x96xbf16>
    %reshape3A = vector.shape_cast %concatenate3A : vector<32x224x96xbf16> to vector<7168x96xbf16>
    %get3A_7 = arith.constant 0 : index
    %get3A_8 = arith.constant 0 : index
    %get3A_9 = arith.constant 0 : index
    %get3A_10 = vector.load %arg5[%get3A_7, %get3A_8, %get3A_9] : memref<3x96x64xbf16, #tpu.memory_space<vmem>>, vector<1x96x64xbf16>
    %get3A_11 = vector.shape_cast %get3A_10 : vector<1x96x64xbf16> to vector<96x64xbf16>
    %dot_general3A = arith.constant dense<0.000000e+00> : vector<7168x64xf32>
    %dot_general3A_12 = tpu.matmul %reshape3A, %get3A_11, %dot_general3A {dimension_numbers = #tpu.dot_dimension_numbers<[1], [0], [0], [1], [0, 0, 1, 1], [], []>, transpose_lhs_hint = false} : vector<7168x96xbf16>, vector<96x64xbf16>, vector<7168x64xf32> -> vector<7168x64xf32>
    %slice3A_13 = vector.extract_strided_slice %get3A_4 {offsets = [1, 0, 0], sizes = [31, 226, 32], strides = [1, 1, 1]} : vector<32x226x32xbf16> to vector<31x226x32xbf16>
    %get3A_14 = arith.constant 0 : index
    %get3A_15 = arith.constant 0 : index
    %get3A_16 = arith.constant 0 : index
    %get3A_17 = arith.constant 0 : index
    %get3A_18 = vector.load %arg4[%get3A_14, %get3A_15, %get3A_16, %get3A_17] : memref<1x32x226x32xbf16, #tpu.memory_space<vmem>>, vector<1x1x226x32xbf16>
    %get3A_19 = vector.shape_cast %get3A_18 : vector<1x1x226x32xbf16> to vector<1x226x32xbf16>
    %concatenate3A_20 = tpu.concatenate %slice3A_13, %get3A_19 in 0 : vector<31x226x32xbf16>, vector<1x226x32xbf16> -> vector<32x226x32xbf16>
    %slice3A_21 = vector.extract_strided_slice %concatenate3A_20 {offsets = [0, 0, 0], sizes = [32, 224, 32], strides = [1, 1, 1]} : vector<32x226x32xbf16> to vector<32x224x32xbf16>
    %slice3A_22 = vector.extract_strided_slice %concatenate3A_20 {offsets = [0, 1, 0], sizes = [32, 224, 32], strides = [1, 1, 1]} : vector<32x226x32xbf16> to vector<32x224x32xbf16>
    %slice3A_23 = vector.extract_strided_slice %concatenate3A_20 {offsets = [0, 2, 0], sizes = [32, 224, 32], strides = [1, 1, 1]} : vector<32x226x32xbf16> to vector<32x224x32xbf16>
    %concatenate3A_24 = tpu.concatenate %slice3A_21, %slice3A_22, %slice3A_23 in 2 : vector<32x224x32xbf16>, vector<32x224x32xbf16>, vector<32x224x32xbf16> -> vector<32x224x96xbf16>
    %reshape3A_25 = vector.shape_cast %concatenate3A_24 : vector<32x224x96xbf16> to vector<7168x96xbf16>
    %get3A_26 = arith.constant 1 : index
    %get3A_27 = arith.constant 0 : index
    %get3A_28 = arith.constant 0 : index
    %get3A_29 = vector.load %arg5[%get3A_26, %get3A_27, %get3A_28] : memref<3x96x64xbf16, #tpu.memory_space<vmem>>, vector<1x96x64xbf16>
    %get3A_30 = vector.shape_cast %get3A_29 : vector<1x96x64xbf16> to vector<96x64xbf16>
    %dot_general3A_31 = arith.constant dense<0.000000e+00> : vector<7168x64xf32>
    %dot_general3A_32 = tpu.matmul %reshape3A_25, %get3A_30, %dot_general3A_31 {dimension_numbers = #tpu.dot_dimension_numbers<[1], [0], [0], [1], [0, 0, 1, 1], [], []>, transpose_lhs_hint = false} : vector<7168x96xbf16>, vector<96x64xbf16>, vector<7168x64xf32> -> vector<7168x64xf32>
    %add3A = arith.addf %dot_general3A_12, %dot_general3A_32 : vector<7168x64xf32>
    %slice3A_33 = vector.extract_strided_slice %get3A_4 {offsets = [2, 0, 0], sizes = [30, 226, 32], strides = [1, 1, 1]} : vector<32x226x32xbf16> to vector<30x226x32xbf16>
    %get3A_34 = arith.constant 0 : index
    %get3A_35 = arith.constant 0 : index
    %get3A_36 = arith.constant 0 : index
    %get3A_37 = arith.constant 0 : index
    %get3A_38 = vector.load %arg4[%get3A_34, %get3A_35, %get3A_36, %get3A_37] : memref<1x32x226x32xbf16, #tpu.memory_space<vmem>>, vector<1x2x226x32xbf16>
    %get3A_39 = vector.shape_cast %get3A_38 : vector<1x2x226x32xbf16> to vector<2x226x32xbf16>
    %concatenate3A_40 = tpu.concatenate %slice3A_33, %get3A_39 in 0 : vector<30x226x32xbf16>, vector<2x226x32xbf16> -> vector<32x226x32xbf16>
    %slice3A_41 = vector.extract_strided_slice %concatenate3A_40 {offsets = [0, 0, 0], sizes = [32, 224, 32], strides = [1, 1, 1]} : vector<32x226x32xbf16> to vector<32x224x32xbf16>
    %slice3A_42 = vector.extract_strided_slice %concatenate3A_40 {offsets = [0, 1, 0], sizes = [32, 224, 32], strides = [1, 1, 1]} : vector<32x226x32xbf16> to vector<32x224x32xbf16>
    %slice3A_43 = vector.extract_strided_slice %concatenate3A_40 {offsets = [0, 2, 0], sizes = [32, 224, 32], strides = [1, 1, 1]} : vector<32x226x32xbf16> to vector<32x224x32xbf16>
    %concatenate3A_44 = tpu.concatenate %slice3A_41, %slice3A_42, %slice3A_43 in 2 : vector<32x224x32xbf16>, vector<32x224x32xbf16>, vector<32x224x32xbf16> -> vector<32x224x96xbf16>
    %reshape3A_45 = vector.shape_cast %concatenate3A_44 : vector<32x224x96xbf16> to vector<7168x96xbf16>
    %get3A_46 = arith.constant 2 : index
    %get3A_47 = arith.constant 0 : index
    %get3A_48 = arith.constant 0 : index
    %get3A_49 = vector.load %arg5[%get3A_46, %get3A_47, %get3A_48] : memref<3x96x64xbf16, #tpu.memory_space<vmem>>, vector<1x96x64xbf16>
    %get3A_50 = vector.shape_cast %get3A_49 : vector<1x96x64xbf16> to vector<96x64xbf16>
    %dot_general3A_51 = arith.constant dense<0.000000e+00> : vector<7168x64xf32>
    %dot_general3A_52 = tpu.matmul %reshape3A_45, %get3A_50, %dot_general3A_51 {dimension_numbers = #tpu.dot_dimension_numbers<[1], [0], [0], [1], [0, 0, 1, 1], [], []>, transpose_lhs_hint = false} : vector<7168x96xbf16>, vector<96x64xbf16>, vector<7168x64xf32> -> vector<7168x64xf32>
    %add3A_53 = arith.addf %add3A, %dot_general3A_52 : vector<7168x64xf32>
    %get3A_54 = arith.constant 0 : index
    %get3A_55 = arith.constant 0 : index
    %get3A_56 = vector.load %arg6[%get3A_54, %get3A_55] : memref<2x64xf32, #tpu.memory_space<vmem>>, vector<1x64xf32>
    %mul3A = vector.broadcast %get3A_56 : vector<1x64xf32> to vector<7168x64xf32>
    %mul3A_57 = arith.mulf %add3A_53, %mul3A : vector<7168x64xf32>
    %get3A_58 = arith.constant 1 : index
    %get3A_59 = arith.constant 0 : index
    %get3A_60 = vector.load %arg6[%get3A_58, %get3A_59] : memref<2x64xf32, #tpu.memory_space<vmem>>, vector<1x64xf32>
    %add3A_61 = vector.broadcast %get3A_60 : vector<1x64xf32> to vector<7168x64xf32>
    %add3A_62 = arith.addf %mul3A_57, %add3A_61 : vector<7168x64xf32>
    %ge3A = arith.constant 0.000000e+00 : f32
    %ge3A_63 = vector.broadcast %ge3A : f32 to vector<7168x64xf32>
    %ge3A_64 = arith.cmpf oge, %add3A_62, %ge3A_63 : vector<7168x64xf32>
    %mul3A_65 = arith.constant 1.000000e-01 : f32
    %mul3A_66 = vector.broadcast %mul3A_65 : f32 to vector<7168x64xf32>
    %mul3A_67 = arith.mulf %mul3A_66, %add3A_62 : vector<7168x64xf32>
    %select_n3A = arith.select %ge3A_64, %add3A_62, %mul3A_67 : vector<7168x64xi1>, vector<7168x64xf32>
    %convert_element_type3A = arith.truncf %select_n3A : vector<7168x64xf32> to vector<7168x64xbf16>
    %reshape3A_68 = vector.shape_cast %convert_element_type3A : vector<7168x64xbf16> to vector<16x2x224x64xbf16>
    %reduce_max3A = arith.constant dense<0xFF80> : vector<16x224x64xbf16>
    %reduce_max3A_69 = vector.multi_reduction <maximumf>, %reshape3A_68, %reduce_max3A [1] : vector<16x2x224x64xbf16> to vector<16x224x64xbf16>
    %reshape3A_70 = vector.shape_cast %reduce_max3A_69 : vector<16x224x64xbf16> to vector<16x112x2x64xbf16>
    %reduce_max3A_71 = arith.constant dense<0xFF80> : vector<16x112x64xbf16>
    %reduce_max3A_72 = vector.multi_reduction <maximumf>, %reshape3A_70, %reduce_max3A_71 [2] : vector<16x112x2x64xbf16> to vector<16x112x64xbf16>
    %swap3A = arith.constant 0 : index
    %swap3A_73 = arith.constant 0 : index
    %swap3A_74 = arith.constant 0 : index
    %swap3A_75 = arith.constant 0 : index
    %swap3A_76 = vector.load %arg7[%swap3A, %swap3A_73, %swap3A_74, %swap3A_75] : memref<1x16x112x64xbf16, #tpu.memory_space<vmem>>, vector<1x16x112x64xbf16>
    %swap3A_77 = vector.shape_cast %swap3A_76 : vector<1x16x112x64xbf16> to vector<16x112x64xbf16>
    %swap3A_78 = vector.shape_cast %reduce_max3A_72 : vector<16x112x64xbf16> to vector<1x16x112x64xbf16>
    tpu.vector_store %arg7[%swap3A, %swap3A_73, %swap3A_74, %swap3A_75], %swap3A_78 {strides = array<i32>} : memref<1x16x112x64xbf16, #tpu.memory_space<vmem>>, vector<1x16x112x64xbf16>,
    return
  }
  func.func @transform_0(%arg0: i32, %arg1: i32, %arg2: i32) -> (i32, i32, i32, i32) {
    %c0_i32 = arith.constant 0 : i32
    %c0_i32_0 = arith.constant 0 : i32
    %c0_i32_1 = arith.constant 0 : i32
    return %arg0, %arg1, %c0_i32, %c0_i32_0 : i32, i32, i32, i32
  }
  func.func @transform_1(%arg0: i32, %arg1: i32, %arg2: i32) -> (i32, i32, i32, i32) {
    %add3A = arith.constant 1 : i32
    %add3A_0 = arith.addi %arg1, %add3A : i32
    %c0_i32 = arith.constant 0 : i32
    %c0_i32_1 = arith.constant 0 : i32
    %c0_i32_2 = arith.constant 0 : i32
    return %arg0, %add3A_0, %c0_i32, %c0_i32_1 : i32, i32, i32, i32
  }
  func.func @transform_2(%arg0: i32, %arg1: i32, %arg2: i32) -> (i32, i32, i32) {
    %c0_i32 = arith.constant 0 : i32
    %c0_i32_0 = arith.constant 0 : i32
    %c0_i32_1 = arith.constant 0 : i32
    return %c0_i32, %c0_i32_0, %arg2 : i32, i32, i32
  }
  func.func @transform_3(%arg0: i32, %arg1: i32, %arg2: i32) -> (i32, i32) {
    %c0_i32 = arith.constant 0 : i32
    %c0_i32_0 = arith.constant 0 : i32
    return %c0_i32, %arg2 : i32, i32
  }
  func.func @transform_4(%arg0: i32, %arg1: i32, %arg2: i32) -> (i32, i32, i32, i32) {
    %c0_i32 = arith.constant 0 : i32
    %c0_i32_0 = arith.constant 0 : i32
    return %arg0, %arg1, %c0_i32, %arg2 : i32, i32, i32, i32
  }
}

module attributes {stable_mosaic.version = 14 : i64} {
  func.func @_conv3_body(%arg0: i32, %arg1: i32, %arg2: i32, %arg3: memref<1x114x114x64xbf16, #tpu.memory_space<vmem>>, %arg4: memref<3x192x128xbf16, #tpu.memory_space<vmem>>, %arg5: memref<2x128xf32, #tpu.memory_space<vmem>>, %arg6: memref<1x28x112x128xbf16, #tpu.memory_space<vmem>>) attributes {dimension_semantics = [#tpu.dimension_semantics<arbitrary>, #tpu.dimension_semantics<arbitrary>, #tpu.dimension_semantics<arbitrary>], iteration_bounds = array<i64: 2, 4, 1>, scalar_prefetch = 0 : i64, scratch_operands = 0 : i64, tpu.core_type = #tpu.core_type<tc>, window_params = [{transform_indices = @transform_0, window_bounds = array<i64: 1, 114, 114, 64>}, {transform_indices = @transform_1, window_bounds = array<i64: 3, 192, 128>}, {transform_indices = @transform_2, window_bounds = array<i64: 2, 128>}, {transform_indices = @transform_3, window_bounds = array<i64: 1, 28, 112, 128>}]} {
    %mul3A = arith.constant 28 : i32
    %mul3A_0 = arith.muli %arg1, %mul3A : i32
    %add3A = arith.constant 0 : i32
    %add3A_1 = arith.addi %mul3A_0, %add3A : i32
    %get3A = arith.constant 0 : index
    %get3A_2 = arith.index_cast %add3A_1 : i32 to index
    %get3A_3 = arith.constant 0 : index
    %get3A_4 = arith.constant 0 : index
    %get3A_5 = vector.load %arg3[%get3A, %get3A_2, %get3A_3, %get3A_4] : memref<1x114x114x64xbf16, #tpu.memory_space<vmem>>, vector<1x28x114x64xbf16>
    %get3A_6 = vector.shape_cast %get3A_5 : vector<1x28x114x64xbf16> to vector<28x114x64xbf16>
    %slice3A = vector.extract_strided_slice %get3A_6 {offsets = [0, 0, 0], sizes = [28, 112, 64], strides = [1, 1, 1]} : vector<28x114x64xbf16> to vector<28x112x64xbf16>
    %slice3A_7 = vector.extract_strided_slice %get3A_6 {offsets = [0, 1, 0], sizes = [28, 112, 64], strides = [1, 1, 1]} : vector<28x114x64xbf16> to vector<28x112x64xbf16>
    %slice3A_8 = vector.extract_strided_slice %get3A_6 {offsets = [0, 2, 0], sizes = [28, 112, 64], strides = [1, 1, 1]} : vector<28x114x64xbf16> to vector<28x112x64xbf16>
    %concatenate3A = tpu.concatenate %slice3A, %slice3A_7, %slice3A_8 in 2 : vector<28x112x64xbf16>, vector<28x112x64xbf16>, vector<28x112x64xbf16> -> vector<28x112x192xbf16>
    %reshape3A = vector.shape_cast %concatenate3A : vector<28x112x192xbf16> to vector<3136x192xbf16>
    %get3A_9 = arith.constant 0 : index
    %get3A_10 = arith.constant 0 : index
    %get3A_11 = arith.constant 0 : index
    %get3A_12 = vector.load %arg4[%get3A_9, %get3A_10, %get3A_11] : memref<3x192x128xbf16, #tpu.memory_space<vmem>>, vector<1x192x128xbf16>
    %get3A_13 = vector.shape_cast %get3A_12 : vector<1x192x128xbf16> to vector<192x128xbf16>
    %dot_general3A = arith.constant dense<0.000000e+00> : vector<3136x128xf32>
    %dot_general3A_14 = tpu.matmul %reshape3A, %get3A_13, %dot_general3A {dimension_numbers = #tpu.dot_dimension_numbers<[1], [0], [0], [1], [0, 0, 1, 1], [], []>, transpose_lhs_hint = false} : vector<3136x192xbf16>, vector<192x128xbf16>, vector<3136x128xf32> -> vector<3136x128xf32>
    %add3A_15 = arith.constant 1 : i32
    %add3A_16 = arith.addi %mul3A_0, %add3A_15 : i32
    %get3A_17 = arith.constant 0 : index
    %get3A_18 = arith.index_cast %add3A_16 : i32 to index
    %get3A_19 = arith.constant 0 : index
    %get3A_20 = arith.constant 0 : index
    %get3A_21 = vector.load %arg3[%get3A_17, %get3A_18, %get3A_19, %get3A_20] : memref<1x114x114x64xbf16, #tpu.memory_space<vmem>>, vector<1x28x114x64xbf16>
    %get3A_22 = vector.shape_cast %get3A_21 : vector<1x28x114x64xbf16> to vector<28x114x64xbf16>
    %slice3A_23 = vector.extract_strided_slice %get3A_22 {offsets = [0, 0, 0], sizes = [28, 112, 64], strides = [1, 1, 1]} : vector<28x114x64xbf16> to vector<28x112x64xbf16>
    %slice3A_24 = vector.extract_strided_slice %get3A_22 {offsets = [0, 1, 0], sizes = [28, 112, 64], strides = [1, 1, 1]} : vector<28x114x64xbf16> to vector<28x112x64xbf16>
    %slice3A_25 = vector.extract_strided_slice %get3A_22 {offsets = [0, 2, 0], sizes = [28, 112, 64], strides = [1, 1, 1]} : vector<28x114x64xbf16> to vector<28x112x64xbf16>
    %concatenate3A_26 = tpu.concatenate %slice3A_23, %slice3A_24, %slice3A_25 in 2 : vector<28x112x64xbf16>, vector<28x112x64xbf16>, vector<28x112x64xbf16> -> vector<28x112x192xbf16>
    %reshape3A_27 = vector.shape_cast %concatenate3A_26 : vector<28x112x192xbf16> to vector<3136x192xbf16>
    %get3A_28 = arith.constant 1 : index
    %get3A_29 = arith.constant 0 : index
    %get3A_30 = arith.constant 0 : index
    %get3A_31 = vector.load %arg4[%get3A_28, %get3A_29, %get3A_30] : memref<3x192x128xbf16, #tpu.memory_space<vmem>>, vector<1x192x128xbf16>
    %get3A_32 = vector.shape_cast %get3A_31 : vector<1x192x128xbf16> to vector<192x128xbf16>
    %dot_general3A_33 = arith.constant dense<0.000000e+00> : vector<3136x128xf32>
    %dot_general3A_34 = tpu.matmul %reshape3A_27, %get3A_32, %dot_general3A_33 {dimension_numbers = #tpu.dot_dimension_numbers<[1], [0], [0], [1], [0, 0, 1, 1], [], []>, transpose_lhs_hint = false} : vector<3136x192xbf16>, vector<192x128xbf16>, vector<3136x128xf32> -> vector<3136x128xf32>
    %add3A_35 = arith.addf %dot_general3A_14, %dot_general3A_34 : vector<3136x128xf32>
    %add3A_36 = arith.constant 2 : i32
    %add3A_37 = arith.addi %mul3A_0, %add3A_36 : i32
    %get3A_38 = arith.constant 0 : index
    %get3A_39 = arith.index_cast %add3A_37 : i32 to index
    %get3A_40 = arith.constant 0 : index
    %get3A_41 = arith.constant 0 : index
    %get3A_42 = vector.load %arg3[%get3A_38, %get3A_39, %get3A_40, %get3A_41] : memref<1x114x114x64xbf16, #tpu.memory_space<vmem>>, vector<1x28x114x64xbf16>
    %get3A_43 = vector.shape_cast %get3A_42 : vector<1x28x114x64xbf16> to vector<28x114x64xbf16>
    %slice3A_44 = vector.extract_strided_slice %get3A_43 {offsets = [0, 0, 0], sizes = [28, 112, 64], strides = [1, 1, 1]} : vector<28x114x64xbf16> to vector<28x112x64xbf16>
    %slice3A_45 = vector.extract_strided_slice %get3A_43 {offsets = [0, 1, 0], sizes = [28, 112, 64], strides = [1, 1, 1]} : vector<28x114x64xbf16> to vector<28x112x64xbf16>
    %slice3A_46 = vector.extract_strided_slice %get3A_43 {offsets = [0, 2, 0], sizes = [28, 112, 64], strides = [1, 1, 1]} : vector<28x114x64xbf16> to vector<28x112x64xbf16>
    %concatenate3A_47 = tpu.concatenate %slice3A_44, %slice3A_45, %slice3A_46 in 2 : vector<28x112x64xbf16>, vector<28x112x64xbf16>, vector<28x112x64xbf16> -> vector<28x112x192xbf16>
    %reshape3A_48 = vector.shape_cast %concatenate3A_47 : vector<28x112x192xbf16> to vector<3136x192xbf16>
    %get3A_49 = arith.constant 2 : index
    %get3A_50 = arith.constant 0 : index
    %get3A_51 = arith.constant 0 : index
    %get3A_52 = vector.load %arg4[%get3A_49, %get3A_50, %get3A_51] : memref<3x192x128xbf16, #tpu.memory_space<vmem>>, vector<1x192x128xbf16>
    %get3A_53 = vector.shape_cast %get3A_52 : vector<1x192x128xbf16> to vector<192x128xbf16>
    %dot_general3A_54 = arith.constant dense<0.000000e+00> : vector<3136x128xf32>
    %dot_general3A_55 = tpu.matmul %reshape3A_48, %get3A_53, %dot_general3A_54 {dimension_numbers = #tpu.dot_dimension_numbers<[1], [0], [0], [1], [0, 0, 1, 1], [], []>, transpose_lhs_hint = false} : vector<3136x192xbf16>, vector<192x128xbf16>, vector<3136x128xf32> -> vector<3136x128xf32>
    %add3A_56 = arith.addf %add3A_35, %dot_general3A_55 : vector<3136x128xf32>
    %get3A_57 = arith.constant 0 : index
    %get3A_58 = arith.constant 0 : index
    %get3A_59 = vector.load %arg5[%get3A_57, %get3A_58] : memref<2x128xf32, #tpu.memory_space<vmem>>, vector<1x128xf32>
    %mul3A_60 = vector.broadcast %get3A_59 : vector<1x128xf32> to vector<3136x128xf32>
    %mul3A_61 = arith.mulf %add3A_56, %mul3A_60 : vector<3136x128xf32>
    %get3A_62 = arith.constant 1 : index
    %get3A_63 = arith.constant 0 : index
    %get3A_64 = vector.load %arg5[%get3A_62, %get3A_63] : memref<2x128xf32, #tpu.memory_space<vmem>>, vector<1x128xf32>
    %add3A_65 = vector.broadcast %get3A_64 : vector<1x128xf32> to vector<3136x128xf32>
    %add3A_66 = arith.addf %mul3A_61, %add3A_65 : vector<3136x128xf32>
    %ge3A = arith.constant 0.000000e+00 : f32
    %ge3A_67 = vector.broadcast %ge3A : f32 to vector<3136x128xf32>
    %ge3A_68 = arith.cmpf oge, %add3A_66, %ge3A_67 : vector<3136x128xf32>
    %mul3A_69 = arith.constant 1.000000e-01 : f32
    %mul3A_70 = vector.broadcast %mul3A_69 : f32 to vector<3136x128xf32>
    %mul3A_71 = arith.mulf %mul3A_70, %add3A_66 : vector<3136x128xf32>
    %select_n3A = arith.select %ge3A_68, %add3A_66, %mul3A_71 : vector<3136x128xi1>, vector<3136x128xf32>
    %convert_element_type3A = arith.truncf %select_n3A : vector<3136x128xf32> to vector<3136x128xbf16>
    %reshape3A_72 = vector.shape_cast %convert_element_type3A : vector<3136x128xbf16> to vector<28x112x128xbf16>
    %swap3A = arith.constant 0 : index
    %swap3A_73 = arith.constant 0 : index
    %swap3A_74 = arith.constant 0 : index
    %swap3A_75 = arith.constant 0 : index
    %swap3A_76 = vector.load %arg6[%swap3A, %swap3A_73, %swap3A_74, %swap3A_75] : memref<1x28x112x128xbf16, #tpu.memory_space<vmem>>, vector<1x28x112x128xbf16>
    %swap3A_77 = vector.shape_cast %swap3A_76 : vector<1x28x112x128xbf16> to vector<28x112x128xbf16>
    %swap3A_78 = vector.shape_cast %reshape3A_72 : vector<28x112x128xbf16> to vector<1x28x112x128xbf16>
    tpu.vector_store %arg6[%swap3A, %swap3A_73, %swap3A_74, %swap3A_75], %swap3A_78 {strides = array<i32>} : memref<1x28x112x128xbf16, #tpu.memory_space<vmem>>, vector<1x28x112x128xbf16>,
    return
  }
  func.func @transform_0(%arg0: i32, %arg1: i32, %arg2: i32) -> (i32, i32, i32, i32) {
    %c0_i32 = arith.constant 0 : i32
    %c0_i32_0 = arith.constant 0 : i32
    %c0_i32_1 = arith.constant 0 : i32
    %c0_i32_2 = arith.constant 0 : i32
    return %arg0, %c0_i32, %c0_i32_0, %c0_i32_1 : i32, i32, i32, i32
  }
  func.func @transform_1(%arg0: i32, %arg1: i32, %arg2: i32) -> (i32, i32, i32) {
    %c0_i32 = arith.constant 0 : i32
    %c0_i32_0 = arith.constant 0 : i32
    %c0_i32_1 = arith.constant 0 : i32
    return %c0_i32, %c0_i32_0, %arg2 : i32, i32, i32
  }
  func.func @transform_2(%arg0: i32, %arg1: i32, %arg2: i32) -> (i32, i32) {
    %c0_i32 = arith.constant 0 : i32
    %c0_i32_0 = arith.constant 0 : i32
    return %c0_i32, %arg2 : i32, i32
  }
  func.func @transform_3(%arg0: i32, %arg1: i32, %arg2: i32) -> (i32, i32, i32, i32) {
    %c0_i32 = arith.constant 0 : i32
    %c0_i32_0 = arith.constant 0 : i32
    return %arg0, %arg1, %c0_i32, %arg2 : i32, i32, i32, i32
  }
}

module attributes {stable_mosaic.version = 14 : i64} {
  func.func @_mm1x1_body(%arg0: i32, %arg1: memref<3136x128xbf16, #tpu.memory_space<vmem>>, %arg2: memref<128x64xbf16, #tpu.memory_space<vmem>>, %arg3: memref<2x64xf32, #tpu.memory_space<vmem>>, %arg4: memref<3136x64xbf16, #tpu.memory_space<vmem>>) attributes {dimension_semantics = [#tpu.dimension_semantics<arbitrary>], iteration_bounds = array<i64: 8>, scalar_prefetch = 0 : i64, scratch_operands = 0 : i64, tpu.core_type = #tpu.core_type<tc>, window_params = [{transform_indices = @transform_0, window_bounds = array<i64: 3136, 128>}, {pipeline_mode = #tpu.pipeline_mode<synchronous>, transform_indices = @transform_1, window_bounds = array<i64: 128, 64>}, {pipeline_mode = #tpu.pipeline_mode<synchronous>, transform_indices = @transform_2, window_bounds = array<i64: 2, 64>}, {transform_indices = @transform_3, window_bounds = array<i64: 3136, 64>}]} {
    %get3A = arith.constant 0 : index
    %get3A_0 = arith.constant 0 : index
    %get3A_1 = vector.load %arg1[%get3A, %get3A_0] : memref<3136x128xbf16, #tpu.memory_space<vmem>>, vector<3136x128xbf16>
    %get3A_2 = arith.constant 0 : index
    %get3A_3 = arith.constant 0 : index
    %get3A_4 = vector.load %arg2[%get3A_2, %get3A_3] : memref<128x64xbf16, #tpu.memory_space<vmem>>, vector<128x64xbf16>
    %dot_general3A = arith.constant dense<0.000000e+00> : vector<3136x64xf32>
    %dot_general3A_5 = tpu.matmul %get3A_1, %get3A_4, %dot_general3A {dimension_numbers = #tpu.dot_dimension_numbers<[1], [0], [0], [1], [0, 0, 1, 1], [], []>, transpose_lhs_hint = false} : vector<3136x128xbf16>, vector<128x64xbf16>, vector<3136x64xf32> -> vector<3136x64xf32>
    %get3A_6 = arith.constant 0 : index
    %get3A_7 = arith.constant 0 : index
    %get3A_8 = vector.load %arg3[%get3A_6, %get3A_7] : memref<2x64xf32, #tpu.memory_space<vmem>>, vector<1x64xf32>
    %mul3A = vector.broadcast %get3A_8 : vector<1x64xf32> to vector<3136x64xf32>
    %mul3A_9 = arith.mulf %dot_general3A_5, %mul3A : vector<3136x64xf32>
    %get3A_10 = arith.constant 1 : index
    %get3A_11 = arith.constant 0 : index
    %get3A_12 = vector.load %arg3[%get3A_10, %get3A_11] : memref<2x64xf32, #tpu.memory_space<vmem>>, vector<1x64xf32>
    %add3A = vector.broadcast %get3A_12 : vector<1x64xf32> to vector<3136x64xf32>
    %add3A_13 = arith.addf %mul3A_9, %add3A : vector<3136x64xf32>
    %ge3A = arith.constant 0.000000e+00 : f32
    %ge3A_14 = vector.broadcast %ge3A : f32 to vector<3136x64xf32>
    %ge3A_15 = arith.cmpf oge, %add3A_13, %ge3A_14 : vector<3136x64xf32>
    %mul3A_16 = arith.constant 1.000000e-01 : f32
    %mul3A_17 = vector.broadcast %mul3A_16 : f32 to vector<3136x64xf32>
    %mul3A_18 = arith.mulf %mul3A_17, %add3A_13 : vector<3136x64xf32>
    %select_n3A = arith.select %ge3A_15, %add3A_13, %mul3A_18 : vector<3136x64xi1>, vector<3136x64xf32>
    %convert_element_type3A = arith.truncf %select_n3A : vector<3136x64xf32> to vector<3136x64xbf16>
    %swap3A = arith.constant 0 : index
    %swap3A_19 = arith.constant 0 : index
    %swap3A_20 = vector.load %arg4[%swap3A, %swap3A_19] : memref<3136x64xbf16, #tpu.memory_space<vmem>>, vector<3136x64xbf16>
    tpu.vector_store %arg4[%swap3A, %swap3A_19], %convert_element_type3A {strides = array<i32>} : memref<3136x64xbf16, #tpu.memory_space<vmem>>, vector<3136x64xbf16>,
    return
  }
  func.func @transform_0(%arg0: i32) -> (i32, i32) {
    %c0_i32 = arith.constant 0 : i32
    %c0_i32_0 = arith.constant 0 : i32
    return %arg0, %c0_i32 : i32, i32
  }
  func.func @transform_1(%arg0: i32) -> (i32, i32) {
    %c0_i32 = arith.constant 0 : i32
    %c0_i32_0 = arith.constant 0 : i32
    %c0_i32_1 = arith.constant 0 : i32
    return %c0_i32, %c0_i32_0 : i32, i32
  }
  func.func @transform_2(%arg0: i32) -> (i32, i32) {
    %c0_i32 = arith.constant 0 : i32
    %c0_i32_0 = arith.constant 0 : i32
    %c0_i32_1 = arith.constant 0 : i32
    return %c0_i32, %c0_i32_0 : i32, i32
  }
  func.func @transform_3(%arg0: i32) -> (i32, i32) {
    %c0_i32 = arith.constant 0 : i32
    %c0_i32_0 = arith.constant 0 : i32
    return %arg0, %c0_i32 : i32, i32
  }
}

module attributes {stable_mosaic.version = 14 : i64} {
  func.func @_conv3_body(%arg0: i32, %arg1: i32, %arg2: i32, %arg3: memref<1x114x114x64xbf16, #tpu.memory_space<vmem>>, %arg4: memref<3x192x128xbf16, #tpu.memory_space<vmem>>, %arg5: memref<2x128xf32, #tpu.memory_space<vmem>>, %arg6: memref<1x14x56x128xbf16, #tpu.memory_space<vmem>>) attributes {dimension_semantics = [#tpu.dimension_semantics<arbitrary>, #tpu.dimension_semantics<arbitrary>, #tpu.dimension_semantics<arbitrary>], iteration_bounds = array<i64: 2, 4, 1>, scalar_prefetch = 0 : i64, scratch_operands = 0 : i64, tpu.core_type = #tpu.core_type<tc>, window_params = [{transform_indices = @transform_0, window_bounds = array<i64: 1, 114, 114, 64>}, {transform_indices = @transform_1, window_bounds = array<i64: 3, 192, 128>}, {transform_indices = @transform_2, window_bounds = array<i64: 2, 128>}, {transform_indices = @transform_3, window_bounds = array<i64: 1, 14, 56, 128>}]} {
    %mul3A = arith.constant 28 : i32
    %mul3A_0 = arith.muli %arg1, %mul3A : i32
    %add3A = arith.constant 0 : i32
    %add3A_1 = arith.addi %mul3A_0, %add3A : i32
    %get3A = arith.constant 0 : index
    %get3A_2 = arith.index_cast %add3A_1 : i32 to index
    %get3A_3 = arith.constant 0 : index
    %get3A_4 = arith.constant 0 : index
    %get3A_5 = vector.load %arg3[%get3A, %get3A_2, %get3A_3, %get3A_4] : memref<1x114x114x64xbf16, #tpu.memory_space<vmem>>, vector<1x28x114x64xbf16>
    %get3A_6 = vector.shape_cast %get3A_5 : vector<1x28x114x64xbf16> to vector<28x114x64xbf16>
    %slice3A = vector.extract_strided_slice %get3A_6 {offsets = [0, 0, 0], sizes = [28, 112, 64], strides = [1, 1, 1]} : vector<28x114x64xbf16> to vector<28x112x64xbf16>
    %slice3A_7 = vector.extract_strided_slice %get3A_6 {offsets = [0, 1, 0], sizes = [28, 112, 64], strides = [1, 1, 1]} : vector<28x114x64xbf16> to vector<28x112x64xbf16>
    %slice3A_8 = vector.extract_strided_slice %get3A_6 {offsets = [0, 2, 0], sizes = [28, 112, 64], strides = [1, 1, 1]} : vector<28x114x64xbf16> to vector<28x112x64xbf16>
    %concatenate3A = tpu.concatenate %slice3A, %slice3A_7, %slice3A_8 in 2 : vector<28x112x64xbf16>, vector<28x112x64xbf16>, vector<28x112x64xbf16> -> vector<28x112x192xbf16>
    %reshape3A = vector.shape_cast %concatenate3A : vector<28x112x192xbf16> to vector<3136x192xbf16>
    %get3A_9 = arith.constant 0 : index
    %get3A_10 = arith.constant 0 : index
    %get3A_11 = arith.constant 0 : index
    %get3A_12 = vector.load %arg4[%get3A_9, %get3A_10, %get3A_11] : memref<3x192x128xbf16, #tpu.memory_space<vmem>>, vector<1x192x128xbf16>
    %get3A_13 = vector.shape_cast %get3A_12 : vector<1x192x128xbf16> to vector<192x128xbf16>
    %dot_general3A = arith.constant dense<0.000000e+00> : vector<3136x128xf32>
    %dot_general3A_14 = tpu.matmul %reshape3A, %get3A_13, %dot_general3A {dimension_numbers = #tpu.dot_dimension_numbers<[1], [0], [0], [1], [0, 0, 1, 1], [], []>, transpose_lhs_hint = false} : vector<3136x192xbf16>, vector<192x128xbf16>, vector<3136x128xf32> -> vector<3136x128xf32>
    %add3A_15 = arith.constant 1 : i32
    %add3A_16 = arith.addi %mul3A_0, %add3A_15 : i32
    %get3A_17 = arith.constant 0 : index
    %get3A_18 = arith.index_cast %add3A_16 : i32 to index
    %get3A_19 = arith.constant 0 : index
    %get3A_20 = arith.constant 0 : index
    %get3A_21 = vector.load %arg3[%get3A_17, %get3A_18, %get3A_19, %get3A_20] : memref<1x114x114x64xbf16, #tpu.memory_space<vmem>>, vector<1x28x114x64xbf16>
    %get3A_22 = vector.shape_cast %get3A_21 : vector<1x28x114x64xbf16> to vector<28x114x64xbf16>
    %slice3A_23 = vector.extract_strided_slice %get3A_22 {offsets = [0, 0, 0], sizes = [28, 112, 64], strides = [1, 1, 1]} : vector<28x114x64xbf16> to vector<28x112x64xbf16>
    %slice3A_24 = vector.extract_strided_slice %get3A_22 {offsets = [0, 1, 0], sizes = [28, 112, 64], strides = [1, 1, 1]} : vector<28x114x64xbf16> to vector<28x112x64xbf16>
    %slice3A_25 = vector.extract_strided_slice %get3A_22 {offsets = [0, 2, 0], sizes = [28, 112, 64], strides = [1, 1, 1]} : vector<28x114x64xbf16> to vector<28x112x64xbf16>
    %concatenate3A_26 = tpu.concatenate %slice3A_23, %slice3A_24, %slice3A_25 in 2 : vector<28x112x64xbf16>, vector<28x112x64xbf16>, vector<28x112x64xbf16> -> vector<28x112x192xbf16>
    %reshape3A_27 = vector.shape_cast %concatenate3A_26 : vector<28x112x192xbf16> to vector<3136x192xbf16>
    %get3A_28 = arith.constant 1 : index
    %get3A_29 = arith.constant 0 : index
    %get3A_30 = arith.constant 0 : index
    %get3A_31 = vector.load %arg4[%get3A_28, %get3A_29, %get3A_30] : memref<3x192x128xbf16, #tpu.memory_space<vmem>>, vector<1x192x128xbf16>
    %get3A_32 = vector.shape_cast %get3A_31 : vector<1x192x128xbf16> to vector<192x128xbf16>
    %dot_general3A_33 = arith.constant dense<0.000000e+00> : vector<3136x128xf32>
    %dot_general3A_34 = tpu.matmul %reshape3A_27, %get3A_32, %dot_general3A_33 {dimension_numbers = #tpu.dot_dimension_numbers<[1], [0], [0], [1], [0, 0, 1, 1], [], []>, transpose_lhs_hint = false} : vector<3136x192xbf16>, vector<192x128xbf16>, vector<3136x128xf32> -> vector<3136x128xf32>
    %add3A_35 = arith.addf %dot_general3A_14, %dot_general3A_34 : vector<3136x128xf32>
    %add3A_36 = arith.constant 2 : i32
    %add3A_37 = arith.addi %mul3A_0, %add3A_36 : i32
    %get3A_38 = arith.constant 0 : index
    %get3A_39 = arith.index_cast %add3A_37 : i32 to index
    %get3A_40 = arith.constant 0 : index
    %get3A_41 = arith.constant 0 : index
    %get3A_42 = vector.load %arg3[%get3A_38, %get3A_39, %get3A_40, %get3A_41] : memref<1x114x114x64xbf16, #tpu.memory_space<vmem>>, vector<1x28x114x64xbf16>
    %get3A_43 = vector.shape_cast %get3A_42 : vector<1x28x114x64xbf16> to vector<28x114x64xbf16>
    %slice3A_44 = vector.extract_strided_slice %get3A_43 {offsets = [0, 0, 0], sizes = [28, 112, 64], strides = [1, 1, 1]} : vector<28x114x64xbf16> to vector<28x112x64xbf16>
    %slice3A_45 = vector.extract_strided_slice %get3A_43 {offsets = [0, 1, 0], sizes = [28, 112, 64], strides = [1, 1, 1]} : vector<28x114x64xbf16> to vector<28x112x64xbf16>
    %slice3A_46 = vector.extract_strided_slice %get3A_43 {offsets = [0, 2, 0], sizes = [28, 112, 64], strides = [1, 1, 1]} : vector<28x114x64xbf16> to vector<28x112x64xbf16>
    %concatenate3A_47 = tpu.concatenate %slice3A_44, %slice3A_45, %slice3A_46 in 2 : vector<28x112x64xbf16>, vector<28x112x64xbf16>, vector<28x112x64xbf16> -> vector<28x112x192xbf16>
    %reshape3A_48 = vector.shape_cast %concatenate3A_47 : vector<28x112x192xbf16> to vector<3136x192xbf16>
    %get3A_49 = arith.constant 2 : index
    %get3A_50 = arith.constant 0 : index
    %get3A_51 = arith.constant 0 : index
    %get3A_52 = vector.load %arg4[%get3A_49, %get3A_50, %get3A_51] : memref<3x192x128xbf16, #tpu.memory_space<vmem>>, vector<1x192x128xbf16>
    %get3A_53 = vector.shape_cast %get3A_52 : vector<1x192x128xbf16> to vector<192x128xbf16>
    %dot_general3A_54 = arith.constant dense<0.000000e+00> : vector<3136x128xf32>
    %dot_general3A_55 = tpu.matmul %reshape3A_48, %get3A_53, %dot_general3A_54 {dimension_numbers = #tpu.dot_dimension_numbers<[1], [0], [0], [1], [0, 0, 1, 1], [], []>, transpose_lhs_hint = false} : vector<3136x192xbf16>, vector<192x128xbf16>, vector<3136x128xf32> -> vector<3136x128xf32>
    %add3A_56 = arith.addf %add3A_35, %dot_general3A_55 : vector<3136x128xf32>
    %get3A_57 = arith.constant 0 : index
    %get3A_58 = arith.constant 0 : index
    %get3A_59 = vector.load %arg5[%get3A_57, %get3A_58] : memref<2x128xf32, #tpu.memory_space<vmem>>, vector<1x128xf32>
    %mul3A_60 = vector.broadcast %get3A_59 : vector<1x128xf32> to vector<3136x128xf32>
    %mul3A_61 = arith.mulf %add3A_56, %mul3A_60 : vector<3136x128xf32>
    %get3A_62 = arith.constant 1 : index
    %get3A_63 = arith.constant 0 : index
    %get3A_64 = vector.load %arg5[%get3A_62, %get3A_63] : memref<2x128xf32, #tpu.memory_space<vmem>>, vector<1x128xf32>
    %add3A_65 = vector.broadcast %get3A_64 : vector<1x128xf32> to vector<3136x128xf32>
    %add3A_66 = arith.addf %mul3A_61, %add3A_65 : vector<3136x128xf32>
    %ge3A = arith.constant 0.000000e+00 : f32
    %ge3A_67 = vector.broadcast %ge3A : f32 to vector<3136x128xf32>
    %ge3A_68 = arith.cmpf oge, %add3A_66, %ge3A_67 : vector<3136x128xf32>
    %mul3A_69 = arith.constant 1.000000e-01 : f32
    %mul3A_70 = vector.broadcast %mul3A_69 : f32 to vector<3136x128xf32>
    %mul3A_71 = arith.mulf %mul3A_70, %add3A_66 : vector<3136x128xf32>
    %select_n3A = arith.select %ge3A_68, %add3A_66, %mul3A_71 : vector<3136x128xi1>, vector<3136x128xf32>
    %convert_element_type3A = arith.truncf %select_n3A : vector<3136x128xf32> to vector<3136x128xbf16>
    %reshape3A_72 = vector.shape_cast %convert_element_type3A : vector<3136x128xbf16> to vector<14x2x112x128xbf16>
    %reduce_max3A = arith.constant dense<0xFF80> : vector<14x112x128xbf16>
    %reduce_max3A_73 = vector.multi_reduction <maximumf>, %reshape3A_72, %reduce_max3A [1] : vector<14x2x112x128xbf16> to vector<14x112x128xbf16>
    %reshape3A_74 = vector.shape_cast %reduce_max3A_73 : vector<14x112x128xbf16> to vector<14x56x2x128xbf16>
    %reduce_max3A_75 = arith.constant dense<0xFF80> : vector<14x56x128xbf16>
    %reduce_max3A_76 = vector.multi_reduction <maximumf>, %reshape3A_74, %reduce_max3A_75 [2] : vector<14x56x2x128xbf16> to vector<14x56x128xbf16>
    %swap3A = arith.constant 0 : index
    %swap3A_77 = arith.constant 0 : index
    %swap3A_78 = arith.constant 0 : index
    %swap3A_79 = arith.constant 0 : index
    %swap3A_80 = vector.load %arg6[%swap3A, %swap3A_77, %swap3A_78, %swap3A_79] : memref<1x14x56x128xbf16, #tpu.memory_space<vmem>>, vector<1x14x56x128xbf16>
    %swap3A_81 = vector.shape_cast %swap3A_80 : vector<1x14x56x128xbf16> to vector<14x56x128xbf16>
    %swap3A_82 = vector.shape_cast %reduce_max3A_76 : vector<14x56x128xbf16> to vector<1x14x56x128xbf16>
    tpu.vector_store %arg6[%swap3A, %swap3A_77, %swap3A_78, %swap3A_79], %swap3A_82 {strides = array<i32>} : memref<1x14x56x128xbf16, #tpu.memory_space<vmem>>, vector<1x14x56x128xbf16>,
    return
  }
  func.func @transform_0(%arg0: i32, %arg1: i32, %arg2: i32) -> (i32, i32, i32, i32) {
    %c0_i32 = arith.constant 0 : i32
    %c0_i32_0 = arith.constant 0 : i32
    %c0_i32_1 = arith.constant 0 : i32
    %c0_i32_2 = arith.constant 0 : i32
    return %arg0, %c0_i32, %c0_i32_0, %c0_i32_1 : i32, i32, i32, i32
  }
  func.func @transform_1(%arg0: i32, %arg1: i32, %arg2: i32) -> (i32, i32, i32) {
    %c0_i32 = arith.constant 0 : i32
    %c0_i32_0 = arith.constant 0 : i32
    %c0_i32_1 = arith.constant 0 : i32
    return %c0_i32, %c0_i32_0, %arg2 : i32, i32, i32
  }
  func.func @transform_2(%arg0: i32, %arg1: i32, %arg2: i32) -> (i32, i32) {
    %c0_i32 = arith.constant 0 : i32
    %c0_i32_0 = arith.constant 0 : i32
    return %c0_i32, %arg2 : i32, i32
  }
  func.func @transform_3(%arg0: i32, %arg1: i32, %arg2: i32) -> (i32, i32, i32, i32) {
    %c0_i32 = arith.constant 0 : i32
    %c0_i32_0 = arith.constant 0 : i32
    return %arg0, %arg1, %c0_i32, %arg2 : i32, i32, i32, i32
  }
}

module attributes {stable_mosaic.version = 14 : i64} {
  func.func @_conv3_body(%arg0: i32, %arg1: i32, %arg2: i32, %arg3: memref<1x58x58x128xbf16, #tpu.memory_space<vmem>>, %arg4: memref<3x384x256xbf16, #tpu.memory_space<vmem>>, %arg5: memref<2x256xf32, #tpu.memory_space<vmem>>, %arg6: memref<1x28x56x256xbf16, #tpu.memory_space<vmem>>) attributes {dimension_semantics = [#tpu.dimension_semantics<arbitrary>, #tpu.dimension_semantics<arbitrary>, #tpu.dimension_semantics<arbitrary>], iteration_bounds = array<i64: 2, 2, 1>, scalar_prefetch = 0 : i64, scratch_operands = 0 : i64, tpu.core_type = #tpu.core_type<tc>, window_params = [{transform_indices = @transform_0, window_bounds = array<i64: 1, 58, 58, 128>}, {transform_indices = @transform_1, window_bounds = array<i64: 3, 384, 256>}, {transform_indices = @transform_2, window_bounds = array<i64: 2, 256>}, {transform_indices = @transform_3, window_bounds = array<i64: 1, 28, 56, 256>}]} {
    %mul3A = arith.constant 28 : i32
    %mul3A_0 = arith.muli %arg1, %mul3A : i32
    %add3A = arith.constant 0 : i32
    %add3A_1 = arith.addi %mul3A_0, %add3A : i32
    %get3A = arith.constant 0 : index
    %get3A_2 = arith.index_cast %add3A_1 : i32 to index
    %get3A_3 = arith.constant 0 : index
    %get3A_4 = arith.constant 0 : index
    %get3A_5 = vector.load %arg3[%get3A, %get3A_2, %get3A_3, %get3A_4] : memref<1x58x58x128xbf16, #tpu.memory_space<vmem>>, vector<1x28x58x128xbf16>
    %get3A_6 = vector.shape_cast %get3A_5 : vector<1x28x58x128xbf16> to vector<28x58x128xbf16>
    %slice3A = vector.extract_strided_slice %get3A_6 {offsets = [0, 0, 0], sizes = [28, 56, 128], strides = [1, 1, 1]} : vector<28x58x128xbf16> to vector<28x56x128xbf16>
    %slice3A_7 = vector.extract_strided_slice %get3A_6 {offsets = [0, 1, 0], sizes = [28, 56, 128], strides = [1, 1, 1]} : vector<28x58x128xbf16> to vector<28x56x128xbf16>
    %slice3A_8 = vector.extract_strided_slice %get3A_6 {offsets = [0, 2, 0], sizes = [28, 56, 128], strides = [1, 1, 1]} : vector<28x58x128xbf16> to vector<28x56x128xbf16>
    %concatenate3A = tpu.concatenate %slice3A, %slice3A_7, %slice3A_8 in 2 : vector<28x56x128xbf16>, vector<28x56x128xbf16>, vector<28x56x128xbf16> -> vector<28x56x384xbf16>
    %reshape3A = vector.shape_cast %concatenate3A : vector<28x56x384xbf16> to vector<1568x384xbf16>
    %get3A_9 = arith.constant 0 : index
    %get3A_10 = arith.constant 0 : index
    %get3A_11 = arith.constant 0 : index
    %get3A_12 = vector.load %arg4[%get3A_9, %get3A_10, %get3A_11] : memref<3x384x256xbf16, #tpu.memory_space<vmem>>, vector<1x384x256xbf16>
    %get3A_13 = vector.shape_cast %get3A_12 : vector<1x384x256xbf16> to vector<384x256xbf16>
    %dot_general3A = arith.constant dense<0.000000e+00> : vector<1568x256xf32>
    %dot_general3A_14 = tpu.matmul %reshape3A, %get3A_13, %dot_general3A {dimension_numbers = #tpu.dot_dimension_numbers<[1], [0], [0], [1], [0, 0, 1, 1], [], []>, transpose_lhs_hint = false} : vector<1568x384xbf16>, vector<384x256xbf16>, vector<1568x256xf32> -> vector<1568x256xf32>
    %add3A_15 = arith.constant 1 : i32
    %add3A_16 = arith.addi %mul3A_0, %add3A_15 : i32
    %get3A_17 = arith.constant 0 : index
    %get3A_18 = arith.index_cast %add3A_16 : i32 to index
    %get3A_19 = arith.constant 0 : index
    %get3A_20 = arith.constant 0 : index
    %get3A_21 = vector.load %arg3[%get3A_17, %get3A_18, %get3A_19, %get3A_20] : memref<1x58x58x128xbf16, #tpu.memory_space<vmem>>, vector<1x28x58x128xbf16>
    %get3A_22 = vector.shape_cast %get3A_21 : vector<1x28x58x128xbf16> to vector<28x58x128xbf16>
    %slice3A_23 = vector.extract_strided_slice %get3A_22 {offsets = [0, 0, 0], sizes = [28, 56, 128], strides = [1, 1, 1]} : vector<28x58x128xbf16> to vector<28x56x128xbf16>
    %slice3A_24 = vector.extract_strided_slice %get3A_22 {offsets = [0, 1, 0], sizes = [28, 56, 128], strides = [1, 1, 1]} : vector<28x58x128xbf16> to vector<28x56x128xbf16>
    %slice3A_25 = vector.extract_strided_slice %get3A_22 {offsets = [0, 2, 0], sizes = [28, 56, 128], strides = [1, 1, 1]} : vector<28x58x128xbf16> to vector<28x56x128xbf16>
    %concatenate3A_26 = tpu.concatenate %slice3A_23, %slice3A_24, %slice3A_25 in 2 : vector<28x56x128xbf16>, vector<28x56x128xbf16>, vector<28x56x128xbf16> -> vector<28x56x384xbf16>
    %reshape3A_27 = vector.shape_cast %concatenate3A_26 : vector<28x56x384xbf16> to vector<1568x384xbf16>
    %get3A_28 = arith.constant 1 : index
    %get3A_29 = arith.constant 0 : index
    %get3A_30 = arith.constant 0 : index
    %get3A_31 = vector.load %arg4[%get3A_28, %get3A_29, %get3A_30] : memref<3x384x256xbf16, #tpu.memory_space<vmem>>, vector<1x384x256xbf16>
    %get3A_32 = vector.shape_cast %get3A_31 : vector<1x384x256xbf16> to vector<384x256xbf16>
    %dot_general3A_33 = arith.constant dense<0.000000e+00> : vector<1568x256xf32>
    %dot_general3A_34 = tpu.matmul %reshape3A_27, %get3A_32, %dot_general3A_33 {dimension_numbers = #tpu.dot_dimension_numbers<[1], [0], [0], [1], [0, 0, 1, 1], [], []>, transpose_lhs_hint = false} : vector<1568x384xbf16>, vector<384x256xbf16>, vector<1568x256xf32> -> vector<1568x256xf32>
    %add3A_35 = arith.addf %dot_general3A_14, %dot_general3A_34 : vector<1568x256xf32>
    %add3A_36 = arith.constant 2 : i32
    %add3A_37 = arith.addi %mul3A_0, %add3A_36 : i32
    %get3A_38 = arith.constant 0 : index
    %get3A_39 = arith.index_cast %add3A_37 : i32 to index
    %get3A_40 = arith.constant 0 : index
    %get3A_41 = arith.constant 0 : index
    %get3A_42 = vector.load %arg3[%get3A_38, %get3A_39, %get3A_40, %get3A_41] : memref<1x58x58x128xbf16, #tpu.memory_space<vmem>>, vector<1x28x58x128xbf16>
    %get3A_43 = vector.shape_cast %get3A_42 : vector<1x28x58x128xbf16> to vector<28x58x128xbf16>
    %slice3A_44 = vector.extract_strided_slice %get3A_43 {offsets = [0, 0, 0], sizes = [28, 56, 128], strides = [1, 1, 1]} : vector<28x58x128xbf16> to vector<28x56x128xbf16>
    %slice3A_45 = vector.extract_strided_slice %get3A_43 {offsets = [0, 1, 0], sizes = [28, 56, 128], strides = [1, 1, 1]} : vector<28x58x128xbf16> to vector<28x56x128xbf16>
    %slice3A_46 = vector.extract_strided_slice %get3A_43 {offsets = [0, 2, 0], sizes = [28, 56, 128], strides = [1, 1, 1]} : vector<28x58x128xbf16> to vector<28x56x128xbf16>
    %concatenate3A_47 = tpu.concatenate %slice3A_44, %slice3A_45, %slice3A_46 in 2 : vector<28x56x128xbf16>, vector<28x56x128xbf16>, vector<28x56x128xbf16> -> vector<28x56x384xbf16>
    %reshape3A_48 = vector.shape_cast %concatenate3A_47 : vector<28x56x384xbf16> to vector<1568x384xbf16>
    %get3A_49 = arith.constant 2 : index
    %get3A_50 = arith.constant 0 : index
    %get3A_51 = arith.constant 0 : index
    %get3A_52 = vector.load %arg4[%get3A_49, %get3A_50, %get3A_51] : memref<3x384x256xbf16, #tpu.memory_space<vmem>>, vector<1x384x256xbf16>
    %get3A_53 = vector.shape_cast %get3A_52 : vector<1x384x256xbf16> to vector<384x256xbf16>
    %dot_general3A_54 = arith.constant dense<0.000000e+00> : vector<1568x256xf32>
    %dot_general3A_55 = tpu.matmul %reshape3A_48, %get3A_53, %dot_general3A_54 {dimension_numbers = #tpu.dot_dimension_numbers<[1], [0], [0], [1], [0, 0, 1, 1], [], []>, transpose_lhs_hint = false} : vector<1568x384xbf16>, vector<384x256xbf16>, vector<1568x256xf32> -> vector<1568x256xf32>
    %add3A_56 = arith.addf %add3A_35, %dot_general3A_55 : vector<1568x256xf32>
    %get3A_57 = arith.constant 0 : index
    %get3A_58 = arith.constant 0 : index
    %get3A_59 = vector.load %arg5[%get3A_57, %get3A_58] : memref<2x256xf32, #tpu.memory_space<vmem>>, vector<1x256xf32>
    %mul3A_60 = vector.broadcast %get3A_59 : vector<1x256xf32> to vector<1568x256xf32>
    %mul3A_61 = arith.mulf %add3A_56, %mul3A_60 : vector<1568x256xf32>
    %get3A_62 = arith.constant 1 : index
    %get3A_63 = arith.constant 0 : index
    %get3A_64 = vector.load %arg5[%get3A_62, %get3A_63] : memref<2x256xf32, #tpu.memory_space<vmem>>, vector<1x256xf32>
    %add3A_65 = vector.broadcast %get3A_64 : vector<1x256xf32> to vector<1568x256xf32>
    %add3A_66 = arith.addf %mul3A_61, %add3A_65 : vector<1568x256xf32>
    %ge3A = arith.constant 0.000000e+00 : f32
    %ge3A_67 = vector.broadcast %ge3A : f32 to vector<1568x256xf32>
    %ge3A_68 = arith.cmpf oge, %add3A_66, %ge3A_67 : vector<1568x256xf32>
    %mul3A_69 = arith.constant 1.000000e-01 : f32
    %mul3A_70 = vector.broadcast %mul3A_69 : f32 to vector<1568x256xf32>
    %mul3A_71 = arith.mulf %mul3A_70, %add3A_66 : vector<1568x256xf32>
    %select_n3A = arith.select %ge3A_68, %add3A_66, %mul3A_71 : vector<1568x256xi1>, vector<1568x256xf32>
    %convert_element_type3A = arith.truncf %select_n3A : vector<1568x256xf32> to vector<1568x256xbf16>
    %reshape3A_72 = vector.shape_cast %convert_element_type3A : vector<1568x256xbf16> to vector<28x56x256xbf16>
    %swap3A = arith.constant 0 : index
    %swap3A_73 = arith.constant 0 : index
    %swap3A_74 = arith.constant 0 : index
    %swap3A_75 = arith.constant 0 : index
    %swap3A_76 = vector.load %arg6[%swap3A, %swap3A_73, %swap3A_74, %swap3A_75] : memref<1x28x56x256xbf16, #tpu.memory_space<vmem>>, vector<1x28x56x256xbf16>
    %swap3A_77 = vector.shape_cast %swap3A_76 : vector<1x28x56x256xbf16> to vector<28x56x256xbf16>
    %swap3A_78 = vector.shape_cast %reshape3A_72 : vector<28x56x256xbf16> to vector<1x28x56x256xbf16>
    tpu.vector_store %arg6[%swap3A, %swap3A_73, %swap3A_74, %swap3A_75], %swap3A_78 {strides = array<i32>} : memref<1x28x56x256xbf16, #tpu.memory_space<vmem>>, vector<1x28x56x256xbf16>,
    return
  }
  func.func @transform_0(%arg0: i32, %arg1: i32, %arg2: i32) -> (i32, i32, i32, i32) {
    %c0_i32 = arith.constant 0 : i32
    %c0_i32_0 = arith.constant 0 : i32
    %c0_i32_1 = arith.constant 0 : i32
    %c0_i32_2 = arith.constant 0 : i32
    return %arg0, %c0_i32, %c0_i32_0, %c0_i32_1 : i32, i32, i32, i32
  }
  func.func @transform_1(%arg0: i32, %arg1: i32, %arg2: i32) -> (i32, i32, i32) {
    %c0_i32 = arith.constant 0 : i32
    %c0_i32_0 = arith.constant 0 : i32
    %c0_i32_1 = arith.constant 0 : i32
    return %c0_i32, %c0_i32_0, %arg2 : i32, i32, i32
  }
  func.func @transform_2(%arg0: i32, %arg1: i32, %arg2: i32) -> (i32, i32) {
    %c0_i32 = arith.constant 0 : i32
    %c0_i32_0 = arith.constant 0 : i32
    return %c0_i32, %arg2 : i32, i32
  }
  func.func @transform_3(%arg0: i32, %arg1: i32, %arg2: i32) -> (i32, i32, i32, i32) {
    %c0_i32 = arith.constant 0 : i32
    %c0_i32_0 = arith.constant 0 : i32
    return %arg0, %arg1, %c0_i32, %arg2 : i32, i32, i32, i32
  }
}

module attributes {stable_mosaic.version = 14 : i64} {
  func.func @_mm1x1_body(%arg0: i32, %arg1: memref<1568x256xbf16, #tpu.memory_space<vmem>>, %arg2: memref<256x128xbf16, #tpu.memory_space<vmem>>, %arg3: memref<2x128xf32, #tpu.memory_space<vmem>>, %arg4: memref<1568x128xbf16, #tpu.memory_space<vmem>>) attributes {dimension_semantics = [#tpu.dimension_semantics<arbitrary>], iteration_bounds = array<i64: 4>, scalar_prefetch = 0 : i64, scratch_operands = 0 : i64, tpu.core_type = #tpu.core_type<tc>, window_params = [{transform_indices = @transform_0, window_bounds = array<i64: 1568, 256>}, {pipeline_mode = #tpu.pipeline_mode<synchronous>, transform_indices = @transform_1, window_bounds = array<i64: 256, 128>}, {pipeline_mode = #tpu.pipeline_mode<synchronous>, transform_indices = @transform_2, window_bounds = array<i64: 2, 128>}, {transform_indices = @transform_3, window_bounds = array<i64: 1568, 128>}]} {
    %get3A = arith.constant 0 : index
    %get3A_0 = arith.constant 0 : index
    %get3A_1 = vector.load %arg1[%get3A, %get3A_0] : memref<1568x256xbf16, #tpu.memory_space<vmem>>, vector<1568x256xbf16>
    %get3A_2 = arith.constant 0 : index
    %get3A_3 = arith.constant 0 : index
    %get3A_4 = vector.load %arg2[%get3A_2, %get3A_3] : memref<256x128xbf16, #tpu.memory_space<vmem>>, vector<256x128xbf16>
    %dot_general3A = arith.constant dense<0.000000e+00> : vector<1568x128xf32>
    %dot_general3A_5 = tpu.matmul %get3A_1, %get3A_4, %dot_general3A {dimension_numbers = #tpu.dot_dimension_numbers<[1], [0], [0], [1], [0, 0, 1, 1], [], []>, transpose_lhs_hint = false} : vector<1568x256xbf16>, vector<256x128xbf16>, vector<1568x128xf32> -> vector<1568x128xf32>
    %get3A_6 = arith.constant 0 : index
    %get3A_7 = arith.constant 0 : index
    %get3A_8 = vector.load %arg3[%get3A_6, %get3A_7] : memref<2x128xf32, #tpu.memory_space<vmem>>, vector<1x128xf32>
    %mul3A = vector.broadcast %get3A_8 : vector<1x128xf32> to vector<1568x128xf32>
    %mul3A_9 = arith.mulf %dot_general3A_5, %mul3A : vector<1568x128xf32>
    %get3A_10 = arith.constant 1 : index
    %get3A_11 = arith.constant 0 : index
    %get3A_12 = vector.load %arg3[%get3A_10, %get3A_11] : memref<2x128xf32, #tpu.memory_space<vmem>>, vector<1x128xf32>
    %add3A = vector.broadcast %get3A_12 : vector<1x128xf32> to vector<1568x128xf32>
    %add3A_13 = arith.addf %mul3A_9, %add3A : vector<1568x128xf32>
    %ge3A = arith.constant 0.000000e+00 : f32
    %ge3A_14 = vector.broadcast %ge3A : f32 to vector<1568x128xf32>
    %ge3A_15 = arith.cmpf oge, %add3A_13, %ge3A_14 : vector<1568x128xf32>
    %mul3A_16 = arith.constant 1.000000e-01 : f32
    %mul3A_17 = vector.broadcast %mul3A_16 : f32 to vector<1568x128xf32>
    %mul3A_18 = arith.mulf %mul3A_17, %add3A_13 : vector<1568x128xf32>
    %select_n3A = arith.select %ge3A_15, %add3A_13, %mul3A_18 : vector<1568x128xi1>, vector<1568x128xf32>
    %convert_element_type3A = arith.truncf %select_n3A : vector<1568x128xf32> to vector<1568x128xbf16>
    %swap3A = arith.constant 0 : index
    %swap3A_19 = arith.constant 0 : index
    %swap3A_20 = vector.load %arg4[%swap3A, %swap3A_19] : memref<1568x128xbf16, #tpu.memory_space<vmem>>, vector<1568x128xbf16>
    tpu.vector_store %arg4[%swap3A, %swap3A_19], %convert_element_type3A {strides = array<i32>} : memref<1568x128xbf16, #tpu.memory_space<vmem>>, vector<1568x128xbf16>,
    return
  }
  func.func @transform_0(%arg0: i32) -> (i32, i32) {
    %c0_i32 = arith.constant 0 : i32
    %c0_i32_0 = arith.constant 0 : i32
    return %arg0, %c0_i32 : i32, i32
  }
  func.func @transform_1(%arg0: i32) -> (i32, i32) {
    %c0_i32 = arith.constant 0 : i32
    %c0_i32_0 = arith.constant 0 : i32
    %c0_i32_1 = arith.constant 0 : i32
    return %c0_i32, %c0_i32_0 : i32, i32
  }
  func.func @transform_2(%arg0: i32) -> (i32, i32) {
    %c0_i32 = arith.constant 0 : i32
    %c0_i32_0 = arith.constant 0 : i32
    %c0_i32_1 = arith.constant 0 : i32
    return %c0_i32, %c0_i32_0 : i32, i32
  }
  func.func @transform_3(%arg0: i32) -> (i32, i32) {
    %c0_i32 = arith.constant 0 : i32
    %c0_i32_0 = arith.constant 0 : i32
    return %arg0, %c0_i32 : i32, i32
  }
}

module attributes {stable_mosaic.version = 14 : i64} {
  func.func @_conv3_body(%arg0: i32, %arg1: i32, %arg2: i32, %arg3: memref<1x58x58x128xbf16, #tpu.memory_space<vmem>>, %arg4: memref<3x384x256xbf16, #tpu.memory_space<vmem>>, %arg5: memref<2x256xf32, #tpu.memory_space<vmem>>, %arg6: memref<1x14x28x256xbf16, #tpu.memory_space<vmem>>) attributes {dimension_semantics = [#tpu.dimension_semantics<arbitrary>, #tpu.dimension_semantics<arbitrary>, #tpu.dimension_semantics<arbitrary>], iteration_bounds = array<i64: 2, 2, 1>, scalar_prefetch = 0 : i64, scratch_operands = 0 : i64, tpu.core_type = #tpu.core_type<tc>, window_params = [{transform_indices = @transform_0, window_bounds = array<i64: 1, 58, 58, 128>}, {transform_indices = @transform_1, window_bounds = array<i64: 3, 384, 256>}, {transform_indices = @transform_2, window_bounds = array<i64: 2, 256>}, {transform_indices = @transform_3, window_bounds = array<i64: 1, 14, 28, 256>}]} {
    %mul3A = arith.constant 28 : i32
    %mul3A_0 = arith.muli %arg1, %mul3A : i32
    %add3A = arith.constant 0 : i32
    %add3A_1 = arith.addi %mul3A_0, %add3A : i32
    %get3A = arith.constant 0 : index
    %get3A_2 = arith.index_cast %add3A_1 : i32 to index
    %get3A_3 = arith.constant 0 : index
    %get3A_4 = arith.constant 0 : index
    %get3A_5 = vector.load %arg3[%get3A, %get3A_2, %get3A_3, %get3A_4] : memref<1x58x58x128xbf16, #tpu.memory_space<vmem>>, vector<1x28x58x128xbf16>
    %get3A_6 = vector.shape_cast %get3A_5 : vector<1x28x58x128xbf16> to vector<28x58x128xbf16>
    %slice3A = vector.extract_strided_slice %get3A_6 {offsets = [0, 0, 0], sizes = [28, 56, 128], strides = [1, 1, 1]} : vector<28x58x128xbf16> to vector<28x56x128xbf16>
    %slice3A_7 = vector.extract_strided_slice %get3A_6 {offsets = [0, 1, 0], sizes = [28, 56, 128], strides = [1, 1, 1]} : vector<28x58x128xbf16> to vector<28x56x128xbf16>
    %slice3A_8 = vector.extract_strided_slice %get3A_6 {offsets = [0, 2, 0], sizes = [28, 56, 128], strides = [1, 1, 1]} : vector<28x58x128xbf16> to vector<28x56x128xbf16>
    %concatenate3A = tpu.concatenate %slice3A, %slice3A_7, %slice3A_8 in 2 : vector<28x56x128xbf16>, vector<28x56x128xbf16>, vector<28x56x128xbf16> -> vector<28x56x384xbf16>
    %reshape3A = vector.shape_cast %concatenate3A : vector<28x56x384xbf16> to vector<1568x384xbf16>
    %get3A_9 = arith.constant 0 : index
    %get3A_10 = arith.constant 0 : index
    %get3A_11 = arith.constant 0 : index
    %get3A_12 = vector.load %arg4[%get3A_9, %get3A_10, %get3A_11] : memref<3x384x256xbf16, #tpu.memory_space<vmem>>, vector<1x384x256xbf16>
    %get3A_13 = vector.shape_cast %get3A_12 : vector<1x384x256xbf16> to vector<384x256xbf16>
    %dot_general3A = arith.constant dense<0.000000e+00> : vector<1568x256xf32>
    %dot_general3A_14 = tpu.matmul %reshape3A, %get3A_13, %dot_general3A {dimension_numbers = #tpu.dot_dimension_numbers<[1], [0], [0], [1], [0, 0, 1, 1], [], []>, transpose_lhs_hint = false} : vector<1568x384xbf16>, vector<384x256xbf16>, vector<1568x256xf32> -> vector<1568x256xf32>
    %add3A_15 = arith.constant 1 : i32
    %add3A_16 = arith.addi %mul3A_0, %add3A_15 : i32
    %get3A_17 = arith.constant 0 : index
    %get3A_18 = arith.index_cast %add3A_16 : i32 to index
    %get3A_19 = arith.constant 0 : index
    %get3A_20 = arith.constant 0 : index
    %get3A_21 = vector.load %arg3[%get3A_17, %get3A_18, %get3A_19, %get3A_20] : memref<1x58x58x128xbf16, #tpu.memory_space<vmem>>, vector<1x28x58x128xbf16>
    %get3A_22 = vector.shape_cast %get3A_21 : vector<1x28x58x128xbf16> to vector<28x58x128xbf16>
    %slice3A_23 = vector.extract_strided_slice %get3A_22 {offsets = [0, 0, 0], sizes = [28, 56, 128], strides = [1, 1, 1]} : vector<28x58x128xbf16> to vector<28x56x128xbf16>
    %slice3A_24 = vector.extract_strided_slice %get3A_22 {offsets = [0, 1, 0], sizes = [28, 56, 128], strides = [1, 1, 1]} : vector<28x58x128xbf16> to vector<28x56x128xbf16>
    %slice3A_25 = vector.extract_strided_slice %get3A_22 {offsets = [0, 2, 0], sizes = [28, 56, 128], strides = [1, 1, 1]} : vector<28x58x128xbf16> to vector<28x56x128xbf16>
    %concatenate3A_26 = tpu.concatenate %slice3A_23, %slice3A_24, %slice3A_25 in 2 : vector<28x56x128xbf16>, vector<28x56x128xbf16>, vector<28x56x128xbf16> -> vector<28x56x384xbf16>
    %reshape3A_27 = vector.shape_cast %concatenate3A_26 : vector<28x56x384xbf16> to vector<1568x384xbf16>
    %get3A_28 = arith.constant 1 : index
    %get3A_29 = arith.constant 0 : index
    %get3A_30 = arith.constant 0 : index
    %get3A_31 = vector.load %arg4[%get3A_28, %get3A_29, %get3A_30] : memref<3x384x256xbf16, #tpu.memory_space<vmem>>, vector<1x384x256xbf16>
    %get3A_32 = vector.shape_cast %get3A_31 : vector<1x384x256xbf16> to vector<384x256xbf16>
    %dot_general3A_33 = arith.constant dense<0.000000e+00> : vector<1568x256xf32>
    %dot_general3A_34 = tpu.matmul %reshape3A_27, %get3A_32, %dot_general3A_33 {dimension_numbers = #tpu.dot_dimension_numbers<[1], [0], [0], [1], [0, 0, 1, 1], [], []>, transpose_lhs_hint = false} : vector<1568x384xbf16>, vector<384x256xbf16>, vector<1568x256xf32> -> vector<1568x256xf32>
    %add3A_35 = arith.addf %dot_general3A_14, %dot_general3A_34 : vector<1568x256xf32>
    %add3A_36 = arith.constant 2 : i32
    %add3A_37 = arith.addi %mul3A_0, %add3A_36 : i32
    %get3A_38 = arith.constant 0 : index
    %get3A_39 = arith.index_cast %add3A_37 : i32 to index
    %get3A_40 = arith.constant 0 : index
    %get3A_41 = arith.constant 0 : index
    %get3A_42 = vector.load %arg3[%get3A_38, %get3A_39, %get3A_40, %get3A_41] : memref<1x58x58x128xbf16, #tpu.memory_space<vmem>>, vector<1x28x58x128xbf16>
    %get3A_43 = vector.shape_cast %get3A_42 : vector<1x28x58x128xbf16> to vector<28x58x128xbf16>
    %slice3A_44 = vector.extract_strided_slice %get3A_43 {offsets = [0, 0, 0], sizes = [28, 56, 128], strides = [1, 1, 1]} : vector<28x58x128xbf16> to vector<28x56x128xbf16>
    %slice3A_45 = vector.extract_strided_slice %get3A_43 {offsets = [0, 1, 0], sizes = [28, 56, 128], strides = [1, 1, 1]} : vector<28x58x128xbf16> to vector<28x56x128xbf16>
    %slice3A_46 = vector.extract_strided_slice %get3A_43 {offsets = [0, 2, 0], sizes = [28, 56, 128], strides = [1, 1, 1]} : vector<28x58x128xbf16> to vector<28x56x128xbf16>
    %concatenate3A_47 = tpu.concatenate %slice3A_44, %slice3A_45, %slice3A_46 in 2 : vector<28x56x128xbf16>, vector<28x56x128xbf16>, vector<28x56x128xbf16> -> vector<28x56x384xbf16>
    %reshape3A_48 = vector.shape_cast %concatenate3A_47 : vector<28x56x384xbf16> to vector<1568x384xbf16>
    %get3A_49 = arith.constant 2 : index
    %get3A_50 = arith.constant 0 : index
    %get3A_51 = arith.constant 0 : index
    %get3A_52 = vector.load %arg4[%get3A_49, %get3A_50, %get3A_51] : memref<3x384x256xbf16, #tpu.memory_space<vmem>>, vector<1x384x256xbf16>
    %get3A_53 = vector.shape_cast %get3A_52 : vector<1x384x256xbf16> to vector<384x256xbf16>
    %dot_general3A_54 = arith.constant dense<0.000000e+00> : vector<1568x256xf32>
    %dot_general3A_55 = tpu.matmul %reshape3A_48, %get3A_53, %dot_general3A_54 {dimension_numbers = #tpu.dot_dimension_numbers<[1], [0], [0], [1], [0, 0, 1, 1], [], []>, transpose_lhs_hint = false} : vector<1568x384xbf16>, vector<384x256xbf16>, vector<1568x256xf32> -> vector<1568x256xf32>
    %add3A_56 = arith.addf %add3A_35, %dot_general3A_55 : vector<1568x256xf32>
    %get3A_57 = arith.constant 0 : index
    %get3A_58 = arith.constant 0 : index
    %get3A_59 = vector.load %arg5[%get3A_57, %get3A_58] : memref<2x256xf32, #tpu.memory_space<vmem>>, vector<1x256xf32>
    %mul3A_60 = vector.broadcast %get3A_59 : vector<1x256xf32> to vector<1568x256xf32>
    %mul3A_61 = arith.mulf %add3A_56, %mul3A_60 : vector<1568x256xf32>
    %get3A_62 = arith.constant 1 : index
    %get3A_63 = arith.constant 0 : index
    %get3A_64 = vector.load %arg5[%get3A_62, %get3A_63] : memref<2x256xf32, #tpu.memory_space<vmem>>, vector<1x256xf32>
    %add3A_65 = vector.broadcast %get3A_64 : vector<1x256xf32> to vector<1568x256xf32>
    %add3A_66 = arith.addf %mul3A_61, %add3A_65 : vector<1568x256xf32>
    %ge3A = arith.constant 0.000000e+00 : f32
    %ge3A_67 = vector.broadcast %ge3A : f32 to vector<1568x256xf32>
    %ge3A_68 = arith.cmpf oge, %add3A_66, %ge3A_67 : vector<1568x256xf32>
    %mul3A_69 = arith.constant 1.000000e-01 : f32
    %mul3A_70 = vector.broadcast %mul3A_69 : f32 to vector<1568x256xf32>
    %mul3A_71 = arith.mulf %mul3A_70, %add3A_66 : vector<1568x256xf32>
    %select_n3A = arith.select %ge3A_68, %add3A_66, %mul3A_71 : vector<1568x256xi1>, vector<1568x256xf32>
    %convert_element_type3A = arith.truncf %select_n3A : vector<1568x256xf32> to vector<1568x256xbf16>
    %reshape3A_72 = vector.shape_cast %convert_element_type3A : vector<1568x256xbf16> to vector<14x2x56x256xbf16>
    %reduce_max3A = arith.constant dense<0xFF80> : vector<14x56x256xbf16>
    %reduce_max3A_73 = vector.multi_reduction <maximumf>, %reshape3A_72, %reduce_max3A [1] : vector<14x2x56x256xbf16> to vector<14x56x256xbf16>
    %reshape3A_74 = vector.shape_cast %reduce_max3A_73 : vector<14x56x256xbf16> to vector<14x28x2x256xbf16>
    %reduce_max3A_75 = arith.constant dense<0xFF80> : vector<14x28x256xbf16>
    %reduce_max3A_76 = vector.multi_reduction <maximumf>, %reshape3A_74, %reduce_max3A_75 [2] : vector<14x28x2x256xbf16> to vector<14x28x256xbf16>
    %swap3A = arith.constant 0 : index
    %swap3A_77 = arith.constant 0 : index
    %swap3A_78 = arith.constant 0 : index
    %swap3A_79 = arith.constant 0 : index
    %swap3A_80 = vector.load %arg6[%swap3A, %swap3A_77, %swap3A_78, %swap3A_79] : memref<1x14x28x256xbf16, #tpu.memory_space<vmem>>, vector<1x14x28x256xbf16>
    %swap3A_81 = vector.shape_cast %swap3A_80 : vector<1x14x28x256xbf16> to vector<14x28x256xbf16>
    %swap3A_82 = vector.shape_cast %reduce_max3A_76 : vector<14x28x256xbf16> to vector<1x14x28x256xbf16>
    tpu.vector_store %arg6[%swap3A, %swap3A_77, %swap3A_78, %swap3A_79], %swap3A_82 {strides = array<i32>} : memref<1x14x28x256xbf16, #tpu.memory_space<vmem>>, vector<1x14x28x256xbf16>,
    return
  }
  func.func @transform_0(%arg0: i32, %arg1: i32, %arg2: i32) -> (i32, i32, i32, i32) {
    %c0_i32 = arith.constant 0 : i32
    %c0_i32_0 = arith.constant 0 : i32
    %c0_i32_1 = arith.constant 0 : i32
    %c0_i32_2 = arith.constant 0 : i32
    return %arg0, %c0_i32, %c0_i32_0, %c0_i32_1 : i32, i32, i32, i32
  }
  func.func @transform_1(%arg0: i32, %arg1: i32, %arg2: i32) -> (i32, i32, i32) {
    %c0_i32 = arith.constant 0 : i32
    %c0_i32_0 = arith.constant 0 : i32
    %c0_i32_1 = arith.constant 0 : i32
    return %c0_i32, %c0_i32_0, %arg2 : i32, i32, i32
  }
  func.func @transform_2(%arg0: i32, %arg1: i32, %arg2: i32) -> (i32, i32) {
    %c0_i32 = arith.constant 0 : i32
    %c0_i32_0 = arith.constant 0 : i32
    return %c0_i32, %arg2 : i32, i32
  }
  func.func @transform_3(%arg0: i32, %arg1: i32, %arg2: i32) -> (i32, i32, i32, i32) {
    %c0_i32 = arith.constant 0 : i32
    %c0_i32_0 = arith.constant 0 : i32
    return %arg0, %arg1, %c0_i32, %arg2 : i32, i32, i32, i32
  }
}

module attributes {stable_mosaic.version = 14 : i64} {
  func.func @_conv3_body(%arg0: i32, %arg1: i32, %arg2: i32, %arg3: memref<1x30x30x256xbf16, #tpu.memory_space<vmem>>, %arg4: memref<3x768x512xbf16, #tpu.memory_space<vmem>>, %arg5: memref<2x512xf32, #tpu.memory_space<vmem>>, %arg6: memref<1x28x28x512xbf16, #tpu.memory_space<vmem>>) attributes {dimension_semantics = [#tpu.dimension_semantics<arbitrary>, #tpu.dimension_semantics<arbitrary>, #tpu.dimension_semantics<arbitrary>], iteration_bounds = array<i64: 2, 1, 1>, scalar_prefetch = 0 : i64, scratch_operands = 0 : i64, tpu.core_type = #tpu.core_type<tc>, window_params = [{transform_indices = @transform_0, window_bounds = array<i64: 1, 30, 30, 256>}, {transform_indices = @transform_1, window_bounds = array<i64: 3, 768, 512>}, {transform_indices = @transform_2, window_bounds = array<i64: 2, 512>}, {transform_indices = @transform_3, window_bounds = array<i64: 1, 28, 28, 512>}]} {
    %mul3A = arith.constant 28 : i32
    %mul3A_0 = arith.muli %arg1, %mul3A : i32
    %add3A = arith.constant 0 : i32
    %add3A_1 = arith.addi %mul3A_0, %add3A : i32
    %get3A = arith.constant 0 : index
    %get3A_2 = arith.index_cast %add3A_1 : i32 to index
    %get3A_3 = arith.constant 0 : index
    %get3A_4 = arith.constant 0 : index
    %get3A_5 = vector.load %arg3[%get3A, %get3A_2, %get3A_3, %get3A_4] : memref<1x30x30x256xbf16, #tpu.memory_space<vmem>>, vector<1x28x30x256xbf16>
    %get3A_6 = vector.shape_cast %get3A_5 : vector<1x28x30x256xbf16> to vector<28x30x256xbf16>
    %slice3A = vector.extract_strided_slice %get3A_6 {offsets = [0, 0, 0], sizes = [28, 28, 256], strides = [1, 1, 1]} : vector<28x30x256xbf16> to vector<28x28x256xbf16>
    %slice3A_7 = vector.extract_strided_slice %get3A_6 {offsets = [0, 1, 0], sizes = [28, 28, 256], strides = [1, 1, 1]} : vector<28x30x256xbf16> to vector<28x28x256xbf16>
    %slice3A_8 = vector.extract_strided_slice %get3A_6 {offsets = [0, 2, 0], sizes = [28, 28, 256], strides = [1, 1, 1]} : vector<28x30x256xbf16> to vector<28x28x256xbf16>
    %concatenate3A = tpu.concatenate %slice3A, %slice3A_7, %slice3A_8 in 2 : vector<28x28x256xbf16>, vector<28x28x256xbf16>, vector<28x28x256xbf16> -> vector<28x28x768xbf16>
    %reshape3A = vector.shape_cast %concatenate3A : vector<28x28x768xbf16> to vector<784x768xbf16>
    %get3A_9 = arith.constant 0 : index
    %get3A_10 = arith.constant 0 : index
    %get3A_11 = arith.constant 0 : index
    %get3A_12 = vector.load %arg4[%get3A_9, %get3A_10, %get3A_11] : memref<3x768x512xbf16, #tpu.memory_space<vmem>>, vector<1x768x512xbf16>
    %get3A_13 = vector.shape_cast %get3A_12 : vector<1x768x512xbf16> to vector<768x512xbf16>
    %dot_general3A = arith.constant dense<0.000000e+00> : vector<784x512xf32>
    %dot_general3A_14 = tpu.matmul %reshape3A, %get3A_13, %dot_general3A {dimension_numbers = #tpu.dot_dimension_numbers<[1], [0], [0], [1], [0, 0, 1, 1], [], []>, transpose_lhs_hint = false} : vector<784x768xbf16>, vector<768x512xbf16>, vector<784x512xf32> -> vector<784x512xf32>
    %add3A_15 = arith.constant 1 : i32
    %add3A_16 = arith.addi %mul3A_0, %add3A_15 : i32
    %get3A_17 = arith.constant 0 : index
    %get3A_18 = arith.index_cast %add3A_16 : i32 to index
    %get3A_19 = arith.constant 0 : index
    %get3A_20 = arith.constant 0 : index
    %get3A_21 = vector.load %arg3[%get3A_17, %get3A_18, %get3A_19, %get3A_20] : memref<1x30x30x256xbf16, #tpu.memory_space<vmem>>, vector<1x28x30x256xbf16>
    %get3A_22 = vector.shape_cast %get3A_21 : vector<1x28x30x256xbf16> to vector<28x30x256xbf16>
    %slice3A_23 = vector.extract_strided_slice %get3A_22 {offsets = [0, 0, 0], sizes = [28, 28, 256], strides = [1, 1, 1]} : vector<28x30x256xbf16> to vector<28x28x256xbf16>
    %slice3A_24 = vector.extract_strided_slice %get3A_22 {offsets = [0, 1, 0], sizes = [28, 28, 256], strides = [1, 1, 1]} : vector<28x30x256xbf16> to vector<28x28x256xbf16>
    %slice3A_25 = vector.extract_strided_slice %get3A_22 {offsets = [0, 2, 0], sizes = [28, 28, 256], strides = [1, 1, 1]} : vector<28x30x256xbf16> to vector<28x28x256xbf16>
    %concatenate3A_26 = tpu.concatenate %slice3A_23, %slice3A_24, %slice3A_25 in 2 : vector<28x28x256xbf16>, vector<28x28x256xbf16>, vector<28x28x256xbf16> -> vector<28x28x768xbf16>
    %reshape3A_27 = vector.shape_cast %concatenate3A_26 : vector<28x28x768xbf16> to vector<784x768xbf16>
    %get3A_28 = arith.constant 1 : index
    %get3A_29 = arith.constant 0 : index
    %get3A_30 = arith.constant 0 : index
    %get3A_31 = vector.load %arg4[%get3A_28, %get3A_29, %get3A_30] : memref<3x768x512xbf16, #tpu.memory_space<vmem>>, vector<1x768x512xbf16>
    %get3A_32 = vector.shape_cast %get3A_31 : vector<1x768x512xbf16> to vector<768x512xbf16>
    %dot_general3A_33 = arith.constant dense<0.000000e+00> : vector<784x512xf32>
    %dot_general3A_34 = tpu.matmul %reshape3A_27, %get3A_32, %dot_general3A_33 {dimension_numbers = #tpu.dot_dimension_numbers<[1], [0], [0], [1], [0, 0, 1, 1], [], []>, transpose_lhs_hint = false} : vector<784x768xbf16>, vector<768x512xbf16>, vector<784x512xf32> -> vector<784x512xf32>
    %add3A_35 = arith.addf %dot_general3A_14, %dot_general3A_34 : vector<784x512xf32>
    %add3A_36 = arith.constant 2 : i32
    %add3A_37 = arith.addi %mul3A_0, %add3A_36 : i32
    %get3A_38 = arith.constant 0 : index
    %get3A_39 = arith.index_cast %add3A_37 : i32 to index
    %get3A_40 = arith.constant 0 : index
    %get3A_41 = arith.constant 0 : index
    %get3A_42 = vector.load %arg3[%get3A_38, %get3A_39, %get3A_40, %get3A_41] : memref<1x30x30x256xbf16, #tpu.memory_space<vmem>>, vector<1x28x30x256xbf16>
    %get3A_43 = vector.shape_cast %get3A_42 : vector<1x28x30x256xbf16> to vector<28x30x256xbf16>
    %slice3A_44 = vector.extract_strided_slice %get3A_43 {offsets = [0, 0, 0], sizes = [28, 28, 256], strides = [1, 1, 1]} : vector<28x30x256xbf16> to vector<28x28x256xbf16>
    %slice3A_45 = vector.extract_strided_slice %get3A_43 {offsets = [0, 1, 0], sizes = [28, 28, 256], strides = [1, 1, 1]} : vector<28x30x256xbf16> to vector<28x28x256xbf16>
    %slice3A_46 = vector.extract_strided_slice %get3A_43 {offsets = [0, 2, 0], sizes = [28, 28, 256], strides = [1, 1, 1]} : vector<28x30x256xbf16> to vector<28x28x256xbf16>
    %concatenate3A_47 = tpu.concatenate %slice3A_44, %slice3A_45, %slice3A_46 in 2 : vector<28x28x256xbf16>, vector<28x28x256xbf16>, vector<28x28x256xbf16> -> vector<28x28x768xbf16>
    %reshape3A_48 = vector.shape_cast %concatenate3A_47 : vector<28x28x768xbf16> to vector<784x768xbf16>
    %get3A_49 = arith.constant 2 : index
    %get3A_50 = arith.constant 0 : index
    %get3A_51 = arith.constant 0 : index
    %get3A_52 = vector.load %arg4[%get3A_49, %get3A_50, %get3A_51] : memref<3x768x512xbf16, #tpu.memory_space<vmem>>, vector<1x768x512xbf16>
    %get3A_53 = vector.shape_cast %get3A_52 : vector<1x768x512xbf16> to vector<768x512xbf16>
    %dot_general3A_54 = arith.constant dense<0.000000e+00> : vector<784x512xf32>
    %dot_general3A_55 = tpu.matmul %reshape3A_48, %get3A_53, %dot_general3A_54 {dimension_numbers = #tpu.dot_dimension_numbers<[1], [0], [0], [1], [0, 0, 1, 1], [], []>, transpose_lhs_hint = false} : vector<784x768xbf16>, vector<768x512xbf16>, vector<784x512xf32> -> vector<784x512xf32>
    %add3A_56 = arith.addf %add3A_35, %dot_general3A_55 : vector<784x512xf32>
    %get3A_57 = arith.constant 0 : index
    %get3A_58 = arith.constant 0 : index
    %get3A_59 = vector.load %arg5[%get3A_57, %get3A_58] : memref<2x512xf32, #tpu.memory_space<vmem>>, vector<1x512xf32>
    %mul3A_60 = vector.broadcast %get3A_59 : vector<1x512xf32> to vector<784x512xf32>
    %mul3A_61 = arith.mulf %add3A_56, %mul3A_60 : vector<784x512xf32>
    %get3A_62 = arith.constant 1 : index
    %get3A_63 = arith.constant 0 : index
    %get3A_64 = vector.load %arg5[%get3A_62, %get3A_63] : memref<2x512xf32, #tpu.memory_space<vmem>>, vector<1x512xf32>
    %add3A_65 = vector.broadcast %get3A_64 : vector<1x512xf32> to vector<784x512xf32>
    %add3A_66 = arith.addf %mul3A_61, %add3A_65 : vector<784x512xf32>
    %ge3A = arith.constant 0.000000e+00 : f32
    %ge3A_67 = vector.broadcast %ge3A : f32 to vector<784x512xf32>
    %ge3A_68 = arith.cmpf oge, %add3A_66, %ge3A_67 : vector<784x512xf32>
    %mul3A_69 = arith.constant 1.000000e-01 : f32
    %mul3A_70 = vector.broadcast %mul3A_69 : f32 to vector<784x512xf32>
    %mul3A_71 = arith.mulf %mul3A_70, %add3A_66 : vector<784x512xf32>
    %select_n3A = arith.select %ge3A_68, %add3A_66, %mul3A_71 : vector<784x512xi1>, vector<784x512xf32>
    %convert_element_type3A = arith.truncf %select_n3A : vector<784x512xf32> to vector<784x512xbf16>
    %reshape3A_72 = vector.shape_cast %convert_element_type3A : vector<784x512xbf16> to vector<28x28x512xbf16>
    %swap3A = arith.constant 0 : index
    %swap3A_73 = arith.constant 0 : index
    %swap3A_74 = arith.constant 0 : index
    %swap3A_75 = arith.constant 0 : index
    %swap3A_76 = vector.load %arg6[%swap3A, %swap3A_73, %swap3A_74, %swap3A_75] : memref<1x28x28x512xbf16, #tpu.memory_space<vmem>>, vector<1x28x28x512xbf16>
    %swap3A_77 = vector.shape_cast %swap3A_76 : vector<1x28x28x512xbf16> to vector<28x28x512xbf16>
    %swap3A_78 = vector.shape_cast %reshape3A_72 : vector<28x28x512xbf16> to vector<1x28x28x512xbf16>
    tpu.vector_store %arg6[%swap3A, %swap3A_73, %swap3A_74, %swap3A_75], %swap3A_78 {strides = array<i32>} : memref<1x28x28x512xbf16, #tpu.memory_space<vmem>>, vector<1x28x28x512xbf16>,
    return
  }
  func.func @transform_0(%arg0: i32, %arg1: i32, %arg2: i32) -> (i32, i32, i32, i32) {
    %c0_i32 = arith.constant 0 : i32
    %c0_i32_0 = arith.constant 0 : i32
    %c0_i32_1 = arith.constant 0 : i32
    %c0_i32_2 = arith.constant 0 : i32
    return %arg0, %c0_i32, %c0_i32_0, %c0_i32_1 : i32, i32, i32, i32
  }
  func.func @transform_1(%arg0: i32, %arg1: i32, %arg2: i32) -> (i32, i32, i32) {
    %c0_i32 = arith.constant 0 : i32
    %c0_i32_0 = arith.constant 0 : i32
    %c0_i32_1 = arith.constant 0 : i32
    return %c0_i32, %c0_i32_0, %arg2 : i32, i32, i32
  }
  func.func @transform_2(%arg0: i32, %arg1: i32, %arg2: i32) -> (i32, i32) {
    %c0_i32 = arith.constant 0 : i32
    %c0_i32_0 = arith.constant 0 : i32
    return %c0_i32, %arg2 : i32, i32
  }
  func.func @transform_3(%arg0: i32, %arg1: i32, %arg2: i32) -> (i32, i32, i32, i32) {
    %c0_i32 = arith.constant 0 : i32
    %c0_i32_0 = arith.constant 0 : i32
    return %arg0, %arg1, %c0_i32, %arg2 : i32, i32, i32, i32
  }
}

module attributes {stable_mosaic.version = 14 : i64} {
  func.func @_mm1x1_body(%arg0: i32, %arg1: memref<784x512xbf16, #tpu.memory_space<vmem>>, %arg2: memref<512x256xbf16, #tpu.memory_space<vmem>>, %arg3: memref<2x256xf32, #tpu.memory_space<vmem>>, %arg4: memref<784x256xbf16, #tpu.memory_space<vmem>>) attributes {dimension_semantics = [#tpu.dimension_semantics<arbitrary>], iteration_bounds = array<i64: 2>, scalar_prefetch = 0 : i64, scratch_operands = 0 : i64, tpu.core_type = #tpu.core_type<tc>, window_params = [{transform_indices = @transform_0, window_bounds = array<i64: 784, 512>}, {pipeline_mode = #tpu.pipeline_mode<synchronous>, transform_indices = @transform_1, window_bounds = array<i64: 512, 256>}, {pipeline_mode = #tpu.pipeline_mode<synchronous>, transform_indices = @transform_2, window_bounds = array<i64: 2, 256>}, {transform_indices = @transform_3, window_bounds = array<i64: 784, 256>}]} {
    %get3A = arith.constant 0 : index
    %get3A_0 = arith.constant 0 : index
    %get3A_1 = vector.load %arg1[%get3A, %get3A_0] : memref<784x512xbf16, #tpu.memory_space<vmem>>, vector<784x512xbf16>
    %get3A_2 = arith.constant 0 : index
    %get3A_3 = arith.constant 0 : index
    %get3A_4 = vector.load %arg2[%get3A_2, %get3A_3] : memref<512x256xbf16, #tpu.memory_space<vmem>>, vector<512x256xbf16>
    %dot_general3A = arith.constant dense<0.000000e+00> : vector<784x256xf32>
    %dot_general3A_5 = tpu.matmul %get3A_1, %get3A_4, %dot_general3A {dimension_numbers = #tpu.dot_dimension_numbers<[1], [0], [0], [1], [0, 0, 1, 1], [], []>, transpose_lhs_hint = false} : vector<784x512xbf16>, vector<512x256xbf16>, vector<784x256xf32> -> vector<784x256xf32>
    %get3A_6 = arith.constant 0 : index
    %get3A_7 = arith.constant 0 : index
    %get3A_8 = vector.load %arg3[%get3A_6, %get3A_7] : memref<2x256xf32, #tpu.memory_space<vmem>>, vector<1x256xf32>
    %mul3A = vector.broadcast %get3A_8 : vector<1x256xf32> to vector<784x256xf32>
    %mul3A_9 = arith.mulf %dot_general3A_5, %mul3A : vector<784x256xf32>
    %get3A_10 = arith.constant 1 : index
    %get3A_11 = arith.constant 0 : index
    %get3A_12 = vector.load %arg3[%get3A_10, %get3A_11] : memref<2x256xf32, #tpu.memory_space<vmem>>, vector<1x256xf32>
    %add3A = vector.broadcast %get3A_12 : vector<1x256xf32> to vector<784x256xf32>
    %add3A_13 = arith.addf %mul3A_9, %add3A : vector<784x256xf32>
    %ge3A = arith.constant 0.000000e+00 : f32
    %ge3A_14 = vector.broadcast %ge3A : f32 to vector<784x256xf32>
    %ge3A_15 = arith.cmpf oge, %add3A_13, %ge3A_14 : vector<784x256xf32>
    %mul3A_16 = arith.constant 1.000000e-01 : f32
    %mul3A_17 = vector.broadcast %mul3A_16 : f32 to vector<784x256xf32>
    %mul3A_18 = arith.mulf %mul3A_17, %add3A_13 : vector<784x256xf32>
    %select_n3A = arith.select %ge3A_15, %add3A_13, %mul3A_18 : vector<784x256xi1>, vector<784x256xf32>
    %convert_element_type3A = arith.truncf %select_n3A : vector<784x256xf32> to vector<784x256xbf16>
    %swap3A = arith.constant 0 : index
    %swap3A_19 = arith.constant 0 : index
    %swap3A_20 = vector.load %arg4[%swap3A, %swap3A_19] : memref<784x256xbf16, #tpu.memory_space<vmem>>, vector<784x256xbf16>
    tpu.vector_store %arg4[%swap3A, %swap3A_19], %convert_element_type3A {strides = array<i32>} : memref<784x256xbf16, #tpu.memory_space<vmem>>, vector<784x256xbf16>,
    return
  }
  func.func @transform_0(%arg0: i32) -> (i32, i32) {
    %c0_i32 = arith.constant 0 : i32
    %c0_i32_0 = arith.constant 0 : i32
    return %arg0, %c0_i32 : i32, i32
  }
  func.func @transform_1(%arg0: i32) -> (i32, i32) {
    %c0_i32 = arith.constant 0 : i32
    %c0_i32_0 = arith.constant 0 : i32
    %c0_i32_1 = arith.constant 0 : i32
    return %c0_i32, %c0_i32_0 : i32, i32
  }
  func.func @transform_2(%arg0: i32) -> (i32, i32) {
    %c0_i32 = arith.constant 0 : i32
    %c0_i32_0 = arith.constant 0 : i32
    %c0_i32_1 = arith.constant 0 : i32
    return %c0_i32, %c0_i32_0 : i32, i32
  }
  func.func @transform_3(%arg0: i32) -> (i32, i32) {
    %c0_i32 = arith.constant 0 : i32
    %c0_i32_0 = arith.constant 0 : i32
    return %arg0, %c0_i32 : i32, i32
  }
}

module attributes {stable_mosaic.version = 14 : i64} {
  func.func @_conv3_body(%arg0: i32, %arg1: i32, %arg2: i32, %arg3: memref<1x30x30x256xbf16, #tpu.memory_space<vmem>>, %arg4: memref<3x768x512xbf16, #tpu.memory_space<vmem>>, %arg5: memref<2x512xf32, #tpu.memory_space<vmem>>, %arg6: memref<1x14x14x512xbf16, #tpu.memory_space<vmem>>) attributes {dimension_semantics = [#tpu.dimension_semantics<arbitrary>, #tpu.dimension_semantics<arbitrary>, #tpu.dimension_semantics<arbitrary>], iteration_bounds = array<i64: 2, 1, 1>, scalar_prefetch = 0 : i64, scratch_operands = 0 : i64, tpu.core_type = #tpu.core_type<tc>, window_params = [{transform_indices = @transform_0, window_bounds = array<i64: 1, 30, 30, 256>}, {transform_indices = @transform_1, window_bounds = array<i64: 3, 768, 512>}, {transform_indices = @transform_2, window_bounds = array<i64: 2, 512>}, {transform_indices = @transform_3, window_bounds = array<i64: 1, 14, 14, 512>}]} {
    %mul3A = arith.constant 28 : i32
    %mul3A_0 = arith.muli %arg1, %mul3A : i32
    %add3A = arith.constant 0 : i32
    %add3A_1 = arith.addi %mul3A_0, %add3A : i32
    %get3A = arith.constant 0 : index
    %get3A_2 = arith.index_cast %add3A_1 : i32 to index
    %get3A_3 = arith.constant 0 : index
    %get3A_4 = arith.constant 0 : index
    %get3A_5 = vector.load %arg3[%get3A, %get3A_2, %get3A_3, %get3A_4] : memref<1x30x30x256xbf16, #tpu.memory_space<vmem>>, vector<1x28x30x256xbf16>
    %get3A_6 = vector.shape_cast %get3A_5 : vector<1x28x30x256xbf16> to vector<28x30x256xbf16>
    %slice3A = vector.extract_strided_slice %get3A_6 {offsets = [0, 0, 0], sizes = [28, 28, 256], strides = [1, 1, 1]} : vector<28x30x256xbf16> to vector<28x28x256xbf16>
    %slice3A_7 = vector.extract_strided_slice %get3A_6 {offsets = [0, 1, 0], sizes = [28, 28, 256], strides = [1, 1, 1]} : vector<28x30x256xbf16> to vector<28x28x256xbf16>
    %slice3A_8 = vector.extract_strided_slice %get3A_6 {offsets = [0, 2, 0], sizes = [28, 28, 256], strides = [1, 1, 1]} : vector<28x30x256xbf16> to vector<28x28x256xbf16>
    %concatenate3A = tpu.concatenate %slice3A, %slice3A_7, %slice3A_8 in 2 : vector<28x28x256xbf16>, vector<28x28x256xbf16>, vector<28x28x256xbf16> -> vector<28x28x768xbf16>
    %reshape3A = vector.shape_cast %concatenate3A : vector<28x28x768xbf16> to vector<784x768xbf16>
    %get3A_9 = arith.constant 0 : index
    %get3A_10 = arith.constant 0 : index
    %get3A_11 = arith.constant 0 : index
    %get3A_12 = vector.load %arg4[%get3A_9, %get3A_10, %get3A_11] : memref<3x768x512xbf16, #tpu.memory_space<vmem>>, vector<1x768x512xbf16>
    %get3A_13 = vector.shape_cast %get3A_12 : vector<1x768x512xbf16> to vector<768x512xbf16>
    %dot_general3A = arith.constant dense<0.000000e+00> : vector<784x512xf32>
    %dot_general3A_14 = tpu.matmul %reshape3A, %get3A_13, %dot_general3A {dimension_numbers = #tpu.dot_dimension_numbers<[1], [0], [0], [1], [0, 0, 1, 1], [], []>, transpose_lhs_hint = false} : vector<784x768xbf16>, vector<768x512xbf16>, vector<784x512xf32> -> vector<784x512xf32>
    %add3A_15 = arith.constant 1 : i32
    %add3A_16 = arith.addi %mul3A_0, %add3A_15 : i32
    %get3A_17 = arith.constant 0 : index
    %get3A_18 = arith.index_cast %add3A_16 : i32 to index
    %get3A_19 = arith.constant 0 : index
    %get3A_20 = arith.constant 0 : index
    %get3A_21 = vector.load %arg3[%get3A_17, %get3A_18, %get3A_19, %get3A_20] : memref<1x30x30x256xbf16, #tpu.memory_space<vmem>>, vector<1x28x30x256xbf16>
    %get3A_22 = vector.shape_cast %get3A_21 : vector<1x28x30x256xbf16> to vector<28x30x256xbf16>
    %slice3A_23 = vector.extract_strided_slice %get3A_22 {offsets = [0, 0, 0], sizes = [28, 28, 256], strides = [1, 1, 1]} : vector<28x30x256xbf16> to vector<28x28x256xbf16>
    %slice3A_24 = vector.extract_strided_slice %get3A_22 {offsets = [0, 1, 0], sizes = [28, 28, 256], strides = [1, 1, 1]} : vector<28x30x256xbf16> to vector<28x28x256xbf16>
    %slice3A_25 = vector.extract_strided_slice %get3A_22 {offsets = [0, 2, 0], sizes = [28, 28, 256], strides = [1, 1, 1]} : vector<28x30x256xbf16> to vector<28x28x256xbf16>
    %concatenate3A_26 = tpu.concatenate %slice3A_23, %slice3A_24, %slice3A_25 in 2 : vector<28x28x256xbf16>, vector<28x28x256xbf16>, vector<28x28x256xbf16> -> vector<28x28x768xbf16>
    %reshape3A_27 = vector.shape_cast %concatenate3A_26 : vector<28x28x768xbf16> to vector<784x768xbf16>
    %get3A_28 = arith.constant 1 : index
    %get3A_29 = arith.constant 0 : index
    %get3A_30 = arith.constant 0 : index
    %get3A_31 = vector.load %arg4[%get3A_28, %get3A_29, %get3A_30] : memref<3x768x512xbf16, #tpu.memory_space<vmem>>, vector<1x768x512xbf16>
    %get3A_32 = vector.shape_cast %get3A_31 : vector<1x768x512xbf16> to vector<768x512xbf16>
    %dot_general3A_33 = arith.constant dense<0.000000e+00> : vector<784x512xf32>
    %dot_general3A_34 = tpu.matmul %reshape3A_27, %get3A_32, %dot_general3A_33 {dimension_numbers = #tpu.dot_dimension_numbers<[1], [0], [0], [1], [0, 0, 1, 1], [], []>, transpose_lhs_hint = false} : vector<784x768xbf16>, vector<768x512xbf16>, vector<784x512xf32> -> vector<784x512xf32>
    %add3A_35 = arith.addf %dot_general3A_14, %dot_general3A_34 : vector<784x512xf32>
    %add3A_36 = arith.constant 2 : i32
    %add3A_37 = arith.addi %mul3A_0, %add3A_36 : i32
    %get3A_38 = arith.constant 0 : index
    %get3A_39 = arith.index_cast %add3A_37 : i32 to index
    %get3A_40 = arith.constant 0 : index
    %get3A_41 = arith.constant 0 : index
    %get3A_42 = vector.load %arg3[%get3A_38, %get3A_39, %get3A_40, %get3A_41] : memref<1x30x30x256xbf16, #tpu.memory_space<vmem>>, vector<1x28x30x256xbf16>
    %get3A_43 = vector.shape_cast %get3A_42 : vector<1x28x30x256xbf16> to vector<28x30x256xbf16>
    %slice3A_44 = vector.extract_strided_slice %get3A_43 {offsets = [0, 0, 0], sizes = [28, 28, 256], strides = [1, 1, 1]} : vector<28x30x256xbf16> to vector<28x28x256xbf16>
    %slice3A_45 = vector.extract_strided_slice %get3A_43 {offsets = [0, 1, 0], sizes = [28, 28, 256], strides = [1, 1, 1]} : vector<28x30x256xbf16> to vector<28x28x256xbf16>
    %slice3A_46 = vector.extract_strided_slice %get3A_43 {offsets = [0, 2, 0], sizes = [28, 28, 256], strides = [1, 1, 1]} : vector<28x30x256xbf16> to vector<28x28x256xbf16>
    %concatenate3A_47 = tpu.concatenate %slice3A_44, %slice3A_45, %slice3A_46 in 2 : vector<28x28x256xbf16>, vector<28x28x256xbf16>, vector<28x28x256xbf16> -> vector<28x28x768xbf16>
    %reshape3A_48 = vector.shape_cast %concatenate3A_47 : vector<28x28x768xbf16> to vector<784x768xbf16>
    %get3A_49 = arith.constant 2 : index
    %get3A_50 = arith.constant 0 : index
    %get3A_51 = arith.constant 0 : index
    %get3A_52 = vector.load %arg4[%get3A_49, %get3A_50, %get3A_51] : memref<3x768x512xbf16, #tpu.memory_space<vmem>>, vector<1x768x512xbf16>
    %get3A_53 = vector.shape_cast %get3A_52 : vector<1x768x512xbf16> to vector<768x512xbf16>
    %dot_general3A_54 = arith.constant dense<0.000000e+00> : vector<784x512xf32>
    %dot_general3A_55 = tpu.matmul %reshape3A_48, %get3A_53, %dot_general3A_54 {dimension_numbers = #tpu.dot_dimension_numbers<[1], [0], [0], [1], [0, 0, 1, 1], [], []>, transpose_lhs_hint = false} : vector<784x768xbf16>, vector<768x512xbf16>, vector<784x512xf32> -> vector<784x512xf32>
    %add3A_56 = arith.addf %add3A_35, %dot_general3A_55 : vector<784x512xf32>
    %get3A_57 = arith.constant 0 : index
    %get3A_58 = arith.constant 0 : index
    %get3A_59 = vector.load %arg5[%get3A_57, %get3A_58] : memref<2x512xf32, #tpu.memory_space<vmem>>, vector<1x512xf32>
    %mul3A_60 = vector.broadcast %get3A_59 : vector<1x512xf32> to vector<784x512xf32>
    %mul3A_61 = arith.mulf %add3A_56, %mul3A_60 : vector<784x512xf32>
    %get3A_62 = arith.constant 1 : index
    %get3A_63 = arith.constant 0 : index
    %get3A_64 = vector.load %arg5[%get3A_62, %get3A_63] : memref<2x512xf32, #tpu.memory_space<vmem>>, vector<1x512xf32>
    %add3A_65 = vector.broadcast %get3A_64 : vector<1x512xf32> to vector<784x512xf32>
    %add3A_66 = arith.addf %mul3A_61, %add3A_65 : vector<784x512xf32>
    %ge3A = arith.constant 0.000000e+00 : f32
    %ge3A_67 = vector.broadcast %ge3A : f32 to vector<784x512xf32>
    %ge3A_68 = arith.cmpf oge, %add3A_66, %ge3A_67 : vector<784x512xf32>
    %mul3A_69 = arith.constant 1.000000e-01 : f32
    %mul3A_70 = vector.broadcast %mul3A_69 : f32 to vector<784x512xf32>
    %mul3A_71 = arith.mulf %mul3A_70, %add3A_66 : vector<784x512xf32>
    %select_n3A = arith.select %ge3A_68, %add3A_66, %mul3A_71 : vector<784x512xi1>, vector<784x512xf32>
    %convert_element_type3A = arith.truncf %select_n3A : vector<784x512xf32> to vector<784x512xbf16>
    %reshape3A_72 = vector.shape_cast %convert_element_type3A : vector<784x512xbf16> to vector<14x2x28x512xbf16>
    %reduce_max3A = arith.constant dense<0xFF80> : vector<14x28x512xbf16>
    %reduce_max3A_73 = vector.multi_reduction <maximumf>, %reshape3A_72, %reduce_max3A [1] : vector<14x2x28x512xbf16> to vector<14x28x512xbf16>
    %reshape3A_74 = vector.shape_cast %reduce_max3A_73 : vector<14x28x512xbf16> to vector<14x14x2x512xbf16>
    %reduce_max3A_75 = arith.constant dense<0xFF80> : vector<14x14x512xbf16>
    %reduce_max3A_76 = vector.multi_reduction <maximumf>, %reshape3A_74, %reduce_max3A_75 [2] : vector<14x14x2x512xbf16> to vector<14x14x512xbf16>
    %swap3A = arith.constant 0 : index
    %swap3A_77 = arith.constant 0 : index
    %swap3A_78 = arith.constant 0 : index
    %swap3A_79 = arith.constant 0 : index
    %swap3A_80 = vector.load %arg6[%swap3A, %swap3A_77, %swap3A_78, %swap3A_79] : memref<1x14x14x512xbf16, #tpu.memory_space<vmem>>, vector<1x14x14x512xbf16>
    %swap3A_81 = vector.shape_cast %swap3A_80 : vector<1x14x14x512xbf16> to vector<14x14x512xbf16>
    %swap3A_82 = vector.shape_cast %reduce_max3A_76 : vector<14x14x512xbf16> to vector<1x14x14x512xbf16>
    tpu.vector_store %arg6[%swap3A, %swap3A_77, %swap3A_78, %swap3A_79], %swap3A_82 {strides = array<i32>} : memref<1x14x14x512xbf16, #tpu.memory_space<vmem>>, vector<1x14x14x512xbf16>,
    return
  }
  func.func @transform_0(%arg0: i32, %arg1: i32, %arg2: i32) -> (i32, i32, i32, i32) {
    %c0_i32 = arith.constant 0 : i32
    %c0_i32_0 = arith.constant 0 : i32
    %c0_i32_1 = arith.constant 0 : i32
    %c0_i32_2 = arith.constant 0 : i32
    return %arg0, %c0_i32, %c0_i32_0, %c0_i32_1 : i32, i32, i32, i32
  }
  func.func @transform_1(%arg0: i32, %arg1: i32, %arg2: i32) -> (i32, i32, i32) {
    %c0_i32 = arith.constant 0 : i32
    %c0_i32_0 = arith.constant 0 : i32
    %c0_i32_1 = arith.constant 0 : i32
    return %c0_i32, %c0_i32_0, %arg2 : i32, i32, i32
  }
  func.func @transform_2(%arg0: i32, %arg1: i32, %arg2: i32) -> (i32, i32) {
    %c0_i32 = arith.constant 0 : i32
    %c0_i32_0 = arith.constant 0 : i32
    return %c0_i32, %arg2 : i32, i32
  }
  func.func @transform_3(%arg0: i32, %arg1: i32, %arg2: i32) -> (i32, i32, i32, i32) {
    %c0_i32 = arith.constant 0 : i32
    %c0_i32_0 = arith.constant 0 : i32
    return %arg0, %arg1, %c0_i32, %arg2 : i32, i32, i32, i32
  }
}

module attributes {stable_mosaic.version = 14 : i64} {
  func.func @_conv3_body(%arg0: i32, %arg1: i32, %arg2: i32, %arg3: memref<1x16x16x512xf32, #tpu.memory_space<vmem>>, %arg4: memref<3x1536x512xbf16, #tpu.memory_space<vmem>>, %arg5: memref<2x512xf32, #tpu.memory_space<vmem>>, %arg6: memref<1x14x14x512xf32, #tpu.memory_space<vmem>>) attributes {dimension_semantics = [#tpu.dimension_semantics<arbitrary>, #tpu.dimension_semantics<arbitrary>, #tpu.dimension_semantics<arbitrary>], iteration_bounds = array<i64: 2, 1, 2>, scalar_prefetch = 0 : i64, scratch_operands = 0 : i64, tpu.core_type = #tpu.core_type<tc>, window_params = [{transform_indices = @transform_0, window_bounds = array<i64: 1, 16, 16, 512>}, {transform_indices = @transform_1, window_bounds = array<i64: 3, 1536, 512>}, {transform_indices = @transform_2, window_bounds = array<i64: 2, 512>}, {transform_indices = @transform_3, window_bounds = array<i64: 1, 14, 14, 512>}]} {
    %mul3A = arith.constant 14 : i32
    %mul3A_0 = arith.muli %arg1, %mul3A : i32
    %add3A = arith.constant 0 : i32
    %add3A_1 = arith.addi %mul3A_0, %add3A : i32
    %get3A = arith.constant 0 : index
    %get3A_2 = arith.index_cast %add3A_1 : i32 to index
    %get3A_3 = arith.constant 0 : index
    %get3A_4 = arith.constant 0 : index
    %get3A_5 = vector.load %arg3[%get3A, %get3A_2, %get3A_3, %get3A_4] : memref<1x16x16x512xf32, #tpu.memory_space<vmem>>, vector<1x14x16x512xf32>
    %get3A_6 = vector.shape_cast %get3A_5 : vector<1x14x16x512xf32> to vector<14x16x512xf32>
    %slice3A = vector.extract_strided_slice %get3A_6 {offsets = [0, 0, 0], sizes = [14, 14, 512], strides = [1, 1, 1]} : vector<14x16x512xf32> to vector<14x14x512xf32>
    %slice3A_7 = vector.extract_strided_slice %get3A_6 {offsets = [0, 1, 0], sizes = [14, 14, 512], strides = [1, 1, 1]} : vector<14x16x512xf32> to vector<14x14x512xf32>
    %slice3A_8 = vector.extract_strided_slice %get3A_6 {offsets = [0, 2, 0], sizes = [14, 14, 512], strides = [1, 1, 1]} : vector<14x16x512xf32> to vector<14x14x512xf32>
    %concatenate3A = tpu.concatenate %slice3A, %slice3A_7, %slice3A_8 in 2 : vector<14x14x512xf32>, vector<14x14x512xf32>, vector<14x14x512xf32> -> vector<14x14x1536xf32>
    %reshape3A = vector.shape_cast %concatenate3A : vector<14x14x1536xf32> to vector<196x1536xf32>
    %convert_element_type3A = arith.truncf %reshape3A : vector<196x1536xf32> to vector<196x1536xbf16>
    %convert_element_type3A_9 = arith.extf %convert_element_type3A : vector<196x1536xbf16> to vector<196x1536xf32>
    %sub3A = arith.subf %reshape3A, %convert_element_type3A_9 : vector<196x1536xf32>
    %convert_element_type3A_10 = arith.truncf %sub3A : vector<196x1536xf32> to vector<196x1536xbf16>
    %get3A_11 = arith.constant 0 : index
    %get3A_12 = arith.constant 0 : index
    %get3A_13 = arith.constant 0 : index
    %get3A_14 = vector.load %arg4[%get3A_11, %get3A_12, %get3A_13] : memref<3x1536x512xbf16, #tpu.memory_space<vmem>>, vector<1x1536x512xbf16>
    %get3A_15 = vector.shape_cast %get3A_14 : vector<1x1536x512xbf16> to vector<1536x512xbf16>
    %dot_general3A = arith.constant dense<0.000000e+00> : vector<196x512xf32>
    %dot_general3A_16 = tpu.matmul %convert_element_type3A, %get3A_15, %dot_general3A {dimension_numbers = #tpu.dot_dimension_numbers<[1], [0], [0], [1], [0, 0, 1, 1], [], []>, transpose_lhs_hint = false} : vector<196x1536xbf16>, vector<1536x512xbf16>, vector<196x512xf32> -> vector<196x512xf32>
    %get3A_17 = arith.constant 0 : index
    %get3A_18 = arith.constant 0 : index
    %get3A_19 = arith.constant 0 : index
    %get3A_20 = vector.load %arg4[%get3A_17, %get3A_18, %get3A_19] : memref<3x1536x512xbf16, #tpu.memory_space<vmem>>, vector<1x1536x512xbf16>
    %get3A_21 = vector.shape_cast %get3A_20 : vector<1x1536x512xbf16> to vector<1536x512xbf16>
    %dot_general3A_22 = arith.constant dense<0.000000e+00> : vector<196x512xf32>
    %dot_general3A_23 = tpu.matmul %convert_element_type3A_10, %get3A_21, %dot_general3A_22 {dimension_numbers = #tpu.dot_dimension_numbers<[1], [0], [0], [1], [0, 0, 1, 1], [], []>, transpose_lhs_hint = false} : vector<196x1536xbf16>, vector<1536x512xbf16>, vector<196x512xf32> -> vector<196x512xf32>
    %add3A_24 = arith.addf %dot_general3A_16, %dot_general3A_23 : vector<196x512xf32>
    %add3A_25 = arith.constant 1 : i32
    %add3A_26 = arith.addi %mul3A_0, %add3A_25 : i32
    %get3A_27 = arith.constant 0 : index
    %get3A_28 = arith.index_cast %add3A_26 : i32 to index
    %get3A_29 = arith.constant 0 : index
    %get3A_30 = arith.constant 0 : index
    %get3A_31 = vector.load %arg3[%get3A_27, %get3A_28, %get3A_29, %get3A_30] : memref<1x16x16x512xf32, #tpu.memory_space<vmem>>, vector<1x14x16x512xf32>
    %get3A_32 = vector.shape_cast %get3A_31 : vector<1x14x16x512xf32> to vector<14x16x512xf32>
    %slice3A_33 = vector.extract_strided_slice %get3A_32 {offsets = [0, 0, 0], sizes = [14, 14, 512], strides = [1, 1, 1]} : vector<14x16x512xf32> to vector<14x14x512xf32>
    %slice3A_34 = vector.extract_strided_slice %get3A_32 {offsets = [0, 1, 0], sizes = [14, 14, 512], strides = [1, 1, 1]} : vector<14x16x512xf32> to vector<14x14x512xf32>
    %slice3A_35 = vector.extract_strided_slice %get3A_32 {offsets = [0, 2, 0], sizes = [14, 14, 512], strides = [1, 1, 1]} : vector<14x16x512xf32> to vector<14x14x512xf32>
    %concatenate3A_36 = tpu.concatenate %slice3A_33, %slice3A_34, %slice3A_35 in 2 : vector<14x14x512xf32>, vector<14x14x512xf32>, vector<14x14x512xf32> -> vector<14x14x1536xf32>
    %reshape3A_37 = vector.shape_cast %concatenate3A_36 : vector<14x14x1536xf32> to vector<196x1536xf32>
    %convert_element_type3A_38 = arith.truncf %reshape3A_37 : vector<196x1536xf32> to vector<196x1536xbf16>
    %convert_element_type3A_39 = arith.extf %convert_element_type3A_38 : vector<196x1536xbf16> to vector<196x1536xf32>
    %sub3A_40 = arith.subf %reshape3A_37, %convert_element_type3A_39 : vector<196x1536xf32>
    %convert_element_type3A_41 = arith.truncf %sub3A_40 : vector<196x1536xf32> to vector<196x1536xbf16>
    %get3A_42 = arith.constant 1 : index
    %get3A_43 = arith.constant 0 : index
    %get3A_44 = arith.constant 0 : index
    %get3A_45 = vector.load %arg4[%get3A_42, %get3A_43, %get3A_44] : memref<3x1536x512xbf16, #tpu.memory_space<vmem>>, vector<1x1536x512xbf16>
    %get3A_46 = vector.shape_cast %get3A_45 : vector<1x1536x512xbf16> to vector<1536x512xbf16>
    %dot_general3A_47 = arith.constant dense<0.000000e+00> : vector<196x512xf32>
    %dot_general3A_48 = tpu.matmul %convert_element_type3A_38, %get3A_46, %dot_general3A_47 {dimension_numbers = #tpu.dot_dimension_numbers<[1], [0], [0], [1], [0, 0, 1, 1], [], []>, transpose_lhs_hint = false} : vector<196x1536xbf16>, vector<1536x512xbf16>, vector<196x512xf32> -> vector<196x512xf32>
    %get3A_49 = arith.constant 1 : index
    %get3A_50 = arith.constant 0 : index
    %get3A_51 = arith.constant 0 : index
    %get3A_52 = vector.load %arg4[%get3A_49, %get3A_50, %get3A_51] : memref<3x1536x512xbf16, #tpu.memory_space<vmem>>, vector<1x1536x512xbf16>
    %get3A_53 = vector.shape_cast %get3A_52 : vector<1x1536x512xbf16> to vector<1536x512xbf16>
    %dot_general3A_54 = arith.constant dense<0.000000e+00> : vector<196x512xf32>
    %dot_general3A_55 = tpu.matmul %convert_element_type3A_41, %get3A_53, %dot_general3A_54 {dimension_numbers = #tpu.dot_dimension_numbers<[1], [0], [0], [1], [0, 0, 1, 1], [], []>, transpose_lhs_hint = false} : vector<196x1536xbf16>, vector<1536x512xbf16>, vector<196x512xf32> -> vector<196x512xf32>
    %add3A_56 = arith.addf %dot_general3A_48, %dot_general3A_55 : vector<196x512xf32>
    %add3A_57 = arith.addf %add3A_24, %add3A_56 : vector<196x512xf32>
    %add3A_58 = arith.constant 2 : i32
    %add3A_59 = arith.addi %mul3A_0, %add3A_58 : i32
    %get3A_60 = arith.constant 0 : index
    %get3A_61 = arith.index_cast %add3A_59 : i32 to index
    %get3A_62 = arith.constant 0 : index
    %get3A_63 = arith.constant 0 : index
    %get3A_64 = vector.load %arg3[%get3A_60, %get3A_61, %get3A_62, %get3A_63] : memref<1x16x16x512xf32, #tpu.memory_space<vmem>>, vector<1x14x16x512xf32>
    %get3A_65 = vector.shape_cast %get3A_64 : vector<1x14x16x512xf32> to vector<14x16x512xf32>
    %slice3A_66 = vector.extract_strided_slice %get3A_65 {offsets = [0, 0, 0], sizes = [14, 14, 512], strides = [1, 1, 1]} : vector<14x16x512xf32> to vector<14x14x512xf32>
    %slice3A_67 = vector.extract_strided_slice %get3A_65 {offsets = [0, 1, 0], sizes = [14, 14, 512], strides = [1, 1, 1]} : vector<14x16x512xf32> to vector<14x14x512xf32>
    %slice3A_68 = vector.extract_strided_slice %get3A_65 {offsets = [0, 2, 0], sizes = [14, 14, 512], strides = [1, 1, 1]} : vector<14x16x512xf32> to vector<14x14x512xf32>
    %concatenate3A_69 = tpu.concatenate %slice3A_66, %slice3A_67, %slice3A_68 in 2 : vector<14x14x512xf32>, vector<14x14x512xf32>, vector<14x14x512xf32> -> vector<14x14x1536xf32>
    %reshape3A_70 = vector.shape_cast %concatenate3A_69 : vector<14x14x1536xf32> to vector<196x1536xf32>
    %convert_element_type3A_71 = arith.truncf %reshape3A_70 : vector<196x1536xf32> to vector<196x1536xbf16>
    %convert_element_type3A_72 = arith.extf %convert_element_type3A_71 : vector<196x1536xbf16> to vector<196x1536xf32>
    %sub3A_73 = arith.subf %reshape3A_70, %convert_element_type3A_72 : vector<196x1536xf32>
    %convert_element_type3A_74 = arith.truncf %sub3A_73 : vector<196x1536xf32> to vector<196x1536xbf16>
    %get3A_75 = arith.constant 2 : index
    %get3A_76 = arith.constant 0 : index
    %get3A_77 = arith.constant 0 : index
    %get3A_78 = vector.load %arg4[%get3A_75, %get3A_76, %get3A_77] : memref<3x1536x512xbf16, #tpu.memory_space<vmem>>, vector<1x1536x512xbf16>
    %get3A_79 = vector.shape_cast %get3A_78 : vector<1x1536x512xbf16> to vector<1536x512xbf16>
    %dot_general3A_80 = arith.constant dense<0.000000e+00> : vector<196x512xf32>
    %dot_general3A_81 = tpu.matmul %convert_element_type3A_71, %get3A_79, %dot_general3A_80 {dimension_numbers = #tpu.dot_dimension_numbers<[1], [0], [0], [1], [0, 0, 1, 1], [], []>, transpose_lhs_hint = false} : vector<196x1536xbf16>, vector<1536x512xbf16>, vector<196x512xf32> -> vector<196x512xf32>
    %get3A_82 = arith.constant 2 : index
    %get3A_83 = arith.constant 0 : index
    %get3A_84 = arith.constant 0 : index
    %get3A_85 = vector.load %arg4[%get3A_82, %get3A_83, %get3A_84] : memref<3x1536x512xbf16, #tpu.memory_space<vmem>>, vector<1x1536x512xbf16>
    %get3A_86 = vector.shape_cast %get3A_85 : vector<1x1536x512xbf16> to vector<1536x512xbf16>
    %dot_general3A_87 = arith.constant dense<0.000000e+00> : vector<196x512xf32>
    %dot_general3A_88 = tpu.matmul %convert_element_type3A_74, %get3A_86, %dot_general3A_87 {dimension_numbers = #tpu.dot_dimension_numbers<[1], [0], [0], [1], [0, 0, 1, 1], [], []>, transpose_lhs_hint = false} : vector<196x1536xbf16>, vector<1536x512xbf16>, vector<196x512xf32> -> vector<196x512xf32>
    %add3A_89 = arith.addf %dot_general3A_81, %dot_general3A_88 : vector<196x512xf32>
    %add3A_90 = arith.addf %add3A_57, %add3A_89 : vector<196x512xf32>
    %get3A_91 = arith.constant 0 : index
    %get3A_92 = arith.constant 0 : index
    %get3A_93 = vector.load %arg5[%get3A_91, %get3A_92] : memref<2x512xf32, #tpu.memory_space<vmem>>, vector<1x512xf32>
    %mul3A_94 = vector.broadcast %get3A_93 : vector<1x512xf32> to vector<196x512xf32>
    %mul3A_95 = arith.mulf %add3A_90, %mul3A_94 : vector<196x512xf32>
    %get3A_96 = arith.constant 1 : index
    %get3A_97 = arith.constant 0 : index
    %get3A_98 = vector.load %arg5[%get3A_96, %get3A_97] : memref<2x512xf32, #tpu.memory_space<vmem>>, vector<1x512xf32>
    %add3A_99 = vector.broadcast %get3A_98 : vector<1x512xf32> to vector<196x512xf32>
    %add3A_100 = arith.addf %mul3A_95, %add3A_99 : vector<196x512xf32>
    %ge3A = arith.constant 0.000000e+00 : f32
    %ge3A_101 = vector.broadcast %ge3A : f32 to vector<196x512xf32>
    %ge3A_102 = arith.cmpf oge, %add3A_100, %ge3A_101 : vector<196x512xf32>
    %mul3A_103 = arith.constant 1.000000e-01 : f32
    %mul3A_104 = vector.broadcast %mul3A_103 : f32 to vector<196x512xf32>
    %mul3A_105 = arith.mulf %mul3A_104, %add3A_100 : vector<196x512xf32>
    %select_n3A = arith.select %ge3A_102, %add3A_100, %mul3A_105 : vector<196x512xi1>, vector<196x512xf32>
    %reshape3A_106 = vector.shape_cast %select_n3A : vector<196x512xf32> to vector<14x14x512xf32>
    %swap3A = arith.constant 0 : index
    %swap3A_107 = arith.constant 0 : index
    %swap3A_108 = arith.constant 0 : index
    %swap3A_109 = arith.constant 0 : index
    %swap3A_110 = vector.load %arg6[%swap3A, %swap3A_107, %swap3A_108, %swap3A_109] : memref<1x14x14x512xf32, #tpu.memory_space<vmem>>, vector<1x14x14x512xf32>
    %swap3A_111 = vector.shape_cast %swap3A_110 : vector<1x14x14x512xf32> to vector<14x14x512xf32>
    %swap3A_112 = vector.shape_cast %reshape3A_106 : vector<14x14x512xf32> to vector<1x14x14x512xf32>
    tpu.vector_store %arg6[%swap3A, %swap3A_107, %swap3A_108, %swap3A_109], %swap3A_112 {strides = array<i32>} : memref<1x14x14x512xf32, #tpu.memory_space<vmem>>, vector<1x14x14x512xf32>,
    return
  }
  func.func @transform_0(%arg0: i32, %arg1: i32, %arg2: i32) -> (i32, i32, i32, i32) {
    %c0_i32 = arith.constant 0 : i32
    %c0_i32_0 = arith.constant 0 : i32
    %c0_i32_1 = arith.constant 0 : i32
    %c0_i32_2 = arith.constant 0 : i32
    return %arg0, %c0_i32, %c0_i32_0, %c0_i32_1 : i32, i32, i32, i32
  }
  func.func @transform_1(%arg0: i32, %arg1: i32, %arg2: i32) -> (i32, i32, i32) {
    %c0_i32 = arith.constant 0 : i32
    %c0_i32_0 = arith.constant 0 : i32
    %c0_i32_1 = arith.constant 0 : i32
    return %c0_i32, %c0_i32_0, %arg2 : i32, i32, i32
  }
  func.func @transform_2(%arg0: i32, %arg1: i32, %arg2: i32) -> (i32, i32) {
    %c0_i32 = arith.constant 0 : i32
    %c0_i32_0 = arith.constant 0 : i32
    return %c0_i32, %arg2 : i32, i32
  }
  func.func @transform_3(%arg0: i32, %arg1: i32, %arg2: i32) -> (i32, i32, i32, i32) {
    %c0_i32 = arith.constant 0 : i32
    %c0_i32_0 = arith.constant 0 : i32
    return %arg0, %arg1, %c0_i32, %arg2 : i32, i32, i32, i32
  }
}

module attributes {stable_mosaic.version = 14 : i64} {
  func.func @_mm1x1_body(%arg0: i32, %arg1: memref<392x1024xf32, #tpu.memory_space<vmem>>, %arg2: memref<1024x512xbf16, #tpu.memory_space<vmem>>, %arg3: memref<2x512xf32, #tpu.memory_space<vmem>>, %arg4: memref<392x512xf32, #tpu.memory_space<vmem>>) attributes {dimension_semantics = [#tpu.dimension_semantics<arbitrary>], iteration_bounds = array<i64: 1>, scalar_prefetch = 0 : i64, scratch_operands = 0 : i64, tpu.core_type = #tpu.core_type<tc>, window_params = [{transform_indices = @transform_0, window_bounds = array<i64: 392, 1024>}, {pipeline_mode = #tpu.pipeline_mode<synchronous>, transform_indices = @transform_1, window_bounds = array<i64: 1024, 512>}, {pipeline_mode = #tpu.pipeline_mode<synchronous>, transform_indices = @transform_2, window_bounds = array<i64: 2, 512>}, {transform_indices = @transform_3, window_bounds = array<i64: 392, 512>}]} {
    %get3A = arith.constant 0 : index
    %get3A_0 = arith.constant 0 : index
    %get3A_1 = vector.load %arg1[%get3A, %get3A_0] : memref<392x1024xf32, #tpu.memory_space<vmem>>, vector<392x1024xf32>
    %convert_element_type3A = arith.truncf %get3A_1 : vector<392x1024xf32> to vector<392x1024xbf16>
    %convert_element_type3A_2 = arith.extf %convert_element_type3A : vector<392x1024xbf16> to vector<392x1024xf32>
    %sub3A = arith.subf %get3A_1, %convert_element_type3A_2 : vector<392x1024xf32>
    %convert_element_type3A_3 = arith.truncf %sub3A : vector<392x1024xf32> to vector<392x1024xbf16>
    %get3A_4 = arith.constant 0 : index
    %get3A_5 = arith.constant 0 : index
    %get3A_6 = vector.load %arg2[%get3A_4, %get3A_5] : memref<1024x512xbf16, #tpu.memory_space<vmem>>, vector<1024x512xbf16>
    %dot_general3A = arith.constant dense<0.000000e+00> : vector<392x512xf32>
    %dot_general3A_7 = tpu.matmul %convert_element_type3A, %get3A_6, %dot_general3A {dimension_numbers = #tpu.dot_dimension_numbers<[1], [0], [0], [1], [0, 0, 1, 1], [], []>, transpose_lhs_hint = false} : vector<392x1024xbf16>, vector<1024x512xbf16>, vector<392x512xf32> -> vector<392x512xf32>
    %get3A_8 = arith.constant 0 : index
    %get3A_9 = arith.constant 0 : index
    %get3A_10 = vector.load %arg2[%get3A_8, %get3A_9] : memref<1024x512xbf16, #tpu.memory_space<vmem>>, vector<1024x512xbf16>
    %dot_general3A_11 = arith.constant dense<0.000000e+00> : vector<392x512xf32>
    %dot_general3A_12 = tpu.matmul %convert_element_type3A_3, %get3A_10, %dot_general3A_11 {dimension_numbers = #tpu.dot_dimension_numbers<[1], [0], [0], [1], [0, 0, 1, 1], [], []>, transpose_lhs_hint = false} : vector<392x1024xbf16>, vector<1024x512xbf16>, vector<392x512xf32> -> vector<392x512xf32>
    %add3A = arith.addf %dot_general3A_7, %dot_general3A_12 : vector<392x512xf32>
    %get3A_13 = arith.constant 0 : index
    %get3A_14 = arith.constant 0 : index
    %get3A_15 = vector.load %arg3[%get3A_13, %get3A_14] : memref<2x512xf32, #tpu.memory_space<vmem>>, vector<1x512xf32>
    %mul3A = vector.broadcast %get3A_15 : vector<1x512xf32> to vector<392x512xf32>
    %mul3A_16 = arith.mulf %add3A, %mul3A : vector<392x512xf32>
    %get3A_17 = arith.constant 1 : index
    %get3A_18 = arith.constant 0 : index
    %get3A_19 = vector.load %arg3[%get3A_17, %get3A_18] : memref<2x512xf32, #tpu.memory_space<vmem>>, vector<1x512xf32>
    %add3A_20 = vector.broadcast %get3A_19 : vector<1x512xf32> to vector<392x512xf32>
    %add3A_21 = arith.addf %mul3A_16, %add3A_20 : vector<392x512xf32>
    %ge3A = arith.constant 0.000000e+00 : f32
    %ge3A_22 = vector.broadcast %ge3A : f32 to vector<392x512xf32>
    %ge3A_23 = arith.cmpf oge, %add3A_21, %ge3A_22 : vector<392x512xf32>
    %mul3A_24 = arith.constant 1.000000e-01 : f32
    %mul3A_25 = vector.broadcast %mul3A_24 : f32 to vector<392x512xf32>
    %mul3A_26 = arith.mulf %mul3A_25, %add3A_21 : vector<392x512xf32>
    %select_n3A = arith.select %ge3A_23, %add3A_21, %mul3A_26 : vector<392x512xi1>, vector<392x512xf32>
    %swap3A = arith.constant 0 : index
    %swap3A_27 = arith.constant 0 : index
    %swap3A_28 = vector.load %arg4[%swap3A, %swap3A_27] : memref<392x512xf32, #tpu.memory_space<vmem>>, vector<392x512xf32>
    tpu.vector_store %arg4[%swap3A, %swap3A_27], %select_n3A {strides = array<i32>} : memref<392x512xf32, #tpu.memory_space<vmem>>, vector<392x512xf32>,
    return
  }
  func.func @transform_0(%arg0: i32) -> (i32, i32) {
    %c0_i32 = arith.constant 0 : i32
    %c0_i32_0 = arith.constant 0 : i32
    return %arg0, %c0_i32 : i32, i32
  }
  func.func @transform_1(%arg0: i32) -> (i32, i32) {
    %c0_i32 = arith.constant 0 : i32
    %c0_i32_0 = arith.constant 0 : i32
    %c0_i32_1 = arith.constant 0 : i32
    return %c0_i32, %c0_i32_0 : i32, i32
  }
  func.func @transform_2(%arg0: i32) -> (i32, i32) {
    %c0_i32 = arith.constant 0 : i32
    %c0_i32_0 = arith.constant 0 : i32
    %c0_i32_1 = arith.constant 0 : i32
    return %c0_i32, %c0_i32_0 : i32, i32
  }
  func.func @transform_3(%arg0: i32) -> (i32, i32) {
    %c0_i32 = arith.constant 0 : i32
    %c0_i32_0 = arith.constant 0 : i32
    return %arg0, %c0_i32 : i32, i32
  }
}

module attributes {stable_mosaic.version = 14 : i64} {
  func.func @_local0_body(%arg0: i32, %arg1: memref<2x8x8x4096xf32, #tpu.memory_space<vmem>>, %arg2: memref<4x4096x256xbf16, #tpu.memory_space<vmem>>, %arg3: memref<2x256xf32, #tpu.memory_space<vmem>>, %arg4: memref<2x7x7x256xf32, #tpu.memory_space<vmem>>) attributes {dimension_semantics = [#tpu.dimension_semantics<arbitrary>], iteration_bounds = array<i64: 4>, scalar_prefetch = 0 : i64, scratch_operands = 0 : i64, tpu.core_type = #tpu.core_type<tc>, window_params = [{pipeline_mode = #tpu.pipeline_mode<synchronous>, transform_indices = @transform_0, window_bounds = array<i64: 2, 8, 8, 4096>}, {transform_indices = @transform_1, window_bounds = array<i64: 4, 4096, 256>}, {transform_indices = @transform_2, window_bounds = array<i64: 2, 256>}, {transform_indices = @transform_3, window_bounds = array<i64: 2, 7, 7, 256>}]} {
    %get3A = arith.constant 0 : index
    %get3A_0 = arith.constant 0 : index
    %get3A_1 = arith.constant 0 : index
    %get3A_2 = arith.constant 0 : index
    %get3A_3 = vector.load %arg1[%get3A, %get3A_0, %get3A_1, %get3A_2] : memref<2x8x8x4096xf32, #tpu.memory_space<vmem>>, vector<2x7x7x4096xf32>
    %reshape3A = vector.shape_cast %get3A_3 : vector<2x7x7x4096xf32> to vector<98x4096xf32>
    %convert_element_type3A = arith.truncf %reshape3A : vector<98x4096xf32> to vector<98x4096xbf16>
    %convert_element_type3A_4 = arith.extf %convert_element_type3A : vector<98x4096xbf16> to vector<98x4096xf32>
    %sub3A = arith.subf %reshape3A, %convert_element_type3A_4 : vector<98x4096xf32>
    %convert_element_type3A_5 = arith.truncf %sub3A : vector<98x4096xf32> to vector<98x4096xbf16>
    %get3A_6 = arith.constant 0 : index
    %get3A_7 = arith.constant 0 : index
    %get3A_8 = arith.constant 0 : index
    %get3A_9 = vector.load %arg2[%get3A_6, %get3A_7, %get3A_8] : memref<4x4096x256xbf16, #tpu.memory_space<vmem>>, vector<1x4096x256xbf16>
    %get3A_10 = vector.shape_cast %get3A_9 : vector<1x4096x256xbf16> to vector<4096x256xbf16>
    %dot_general3A = arith.constant dense<0.000000e+00> : vector<98x256xf32>
    %dot_general3A_11 = tpu.matmul %convert_element_type3A, %get3A_10, %dot_general3A {dimension_numbers = #tpu.dot_dimension_numbers<[1], [0], [0], [1], [0, 0, 1, 1], [], []>, transpose_lhs_hint = false} : vector<98x4096xbf16>, vector<4096x256xbf16>, vector<98x256xf32> -> vector<98x256xf32>
    %get3A_12 = arith.constant 0 : index
    %get3A_13 = arith.constant 0 : index
    %get3A_14 = arith.constant 0 : index
    %get3A_15 = vector.load %arg2[%get3A_12, %get3A_13, %get3A_14] : memref<4x4096x256xbf16, #tpu.memory_space<vmem>>, vector<1x4096x256xbf16>
    %get3A_16 = vector.shape_cast %get3A_15 : vector<1x4096x256xbf16> to vector<4096x256xbf16>
    %dot_general3A_17 = arith.constant dense<0.000000e+00> : vector<98x256xf32>
    %dot_general3A_18 = tpu.matmul %convert_element_type3A_5, %get3A_16, %dot_general3A_17 {dimension_numbers = #tpu.dot_dimension_numbers<[1], [0], [0], [1], [0, 0, 1, 1], [], []>, transpose_lhs_hint = false} : vector<98x4096xbf16>, vector<4096x256xbf16>, vector<98x256xf32> -> vector<98x256xf32>
    %add3A = arith.addf %dot_general3A_11, %dot_general3A_18 : vector<98x256xf32>
    %get3A_19 = arith.constant 0 : index
    %get3A_20 = arith.constant 0 : index
    %get3A_21 = arith.constant 1 : index
    %get3A_22 = arith.constant 0 : index
    %get3A_23 = vector.load %arg1[%get3A_19, %get3A_20, %get3A_21, %get3A_22] : memref<2x8x8x4096xf32, #tpu.memory_space<vmem>>, vector<2x7x7x4096xf32>
    %reshape3A_24 = vector.shape_cast %get3A_23 : vector<2x7x7x4096xf32> to vector<98x4096xf32>
    %convert_element_type3A_25 = arith.truncf %reshape3A_24 : vector<98x4096xf32> to vector<98x4096xbf16>
    %convert_element_type3A_26 = arith.extf %convert_element_type3A_25 : vector<98x4096xbf16> to vector<98x4096xf32>
    %sub3A_27 = arith.subf %reshape3A_24, %convert_element_type3A_26 : vector<98x4096xf32>
    %convert_element_type3A_28 = arith.truncf %sub3A_27 : vector<98x4096xf32> to vector<98x4096xbf16>
    %get3A_29 = arith.constant 1 : index
    %get3A_30 = arith.constant 0 : index
    %get3A_31 = arith.constant 0 : index
    %get3A_32 = vector.load %arg2[%get3A_29, %get3A_30, %get3A_31] : memref<4x4096x256xbf16, #tpu.memory_space<vmem>>, vector<1x4096x256xbf16>
    %get3A_33 = vector.shape_cast %get3A_32 : vector<1x4096x256xbf16> to vector<4096x256xbf16>
    %dot_general3A_34 = arith.constant dense<0.000000e+00> : vector<98x256xf32>
    %dot_general3A_35 = tpu.matmul %convert_element_type3A_25, %get3A_33, %dot_general3A_34 {dimension_numbers = #tpu.dot_dimension_numbers<[1], [0], [0], [1], [0, 0, 1, 1], [], []>, transpose_lhs_hint = false} : vector<98x4096xbf16>, vector<4096x256xbf16>, vector<98x256xf32> -> vector<98x256xf32>
    %get3A_36 = arith.constant 1 : index
    %get3A_37 = arith.constant 0 : index
    %get3A_38 = arith.constant 0 : index
    %get3A_39 = vector.load %arg2[%get3A_36, %get3A_37, %get3A_38] : memref<4x4096x256xbf16, #tpu.memory_space<vmem>>, vector<1x4096x256xbf16>
    %get3A_40 = vector.shape_cast %get3A_39 : vector<1x4096x256xbf16> to vector<4096x256xbf16>
    %dot_general3A_41 = arith.constant dense<0.000000e+00> : vector<98x256xf32>
    %dot_general3A_42 = tpu.matmul %convert_element_type3A_28, %get3A_40, %dot_general3A_41 {dimension_numbers = #tpu.dot_dimension_numbers<[1], [0], [0], [1], [0, 0, 1, 1], [], []>, transpose_lhs_hint = false} : vector<98x4096xbf16>, vector<4096x256xbf16>, vector<98x256xf32> -> vector<98x256xf32>
    %add3A_43 = arith.addf %dot_general3A_35, %dot_general3A_42 : vector<98x256xf32>
    %add3A_44 = arith.addf %add3A, %add3A_43 : vector<98x256xf32>
    %get3A_45 = arith.constant 0 : index
    %get3A_46 = arith.constant 1 : index
    %get3A_47 = arith.constant 0 : index
    %get3A_48 = arith.constant 0 : index
    %get3A_49 = vector.load %arg1[%get3A_45, %get3A_46, %get3A_47, %get3A_48] : memref<2x8x8x4096xf32, #tpu.memory_space<vmem>>, vector<2x7x7x4096xf32>
    %reshape3A_50 = vector.shape_cast %get3A_49 : vector<2x7x7x4096xf32> to vector<98x4096xf32>
    %convert_element_type3A_51 = arith.truncf %reshape3A_50 : vector<98x4096xf32> to vector<98x4096xbf16>
    %convert_element_type3A_52 = arith.extf %convert_element_type3A_51 : vector<98x4096xbf16> to vector<98x4096xf32>
    %sub3A_53 = arith.subf %reshape3A_50, %convert_element_type3A_52 : vector<98x4096xf32>
    %convert_element_type3A_54 = arith.truncf %sub3A_53 : vector<98x4096xf32> to vector<98x4096xbf16>
    %get3A_55 = arith.constant 2 : index
    %get3A_56 = arith.constant 0 : index
    %get3A_57 = arith.constant 0 : index
    %get3A_58 = vector.load %arg2[%get3A_55, %get3A_56, %get3A_57] : memref<4x4096x256xbf16, #tpu.memory_space<vmem>>, vector<1x4096x256xbf16>
    %get3A_59 = vector.shape_cast %get3A_58 : vector<1x4096x256xbf16> to vector<4096x256xbf16>
    %dot_general3A_60 = arith.constant dense<0.000000e+00> : vector<98x256xf32>
    %dot_general3A_61 = tpu.matmul %convert_element_type3A_51, %get3A_59, %dot_general3A_60 {dimension_numbers = #tpu.dot_dimension_numbers<[1], [0], [0], [1], [0, 0, 1, 1], [], []>, transpose_lhs_hint = false} : vector<98x4096xbf16>, vector<4096x256xbf16>, vector<98x256xf32> -> vector<98x256xf32>
    %get3A_62 = arith.constant 2 : index
    %get3A_63 = arith.constant 0 : index
    %get3A_64 = arith.constant 0 : index
    %get3A_65 = vector.load %arg2[%get3A_62, %get3A_63, %get3A_64] : memref<4x4096x256xbf16, #tpu.memory_space<vmem>>, vector<1x4096x256xbf16>
    %get3A_66 = vector.shape_cast %get3A_65 : vector<1x4096x256xbf16> to vector<4096x256xbf16>
    %dot_general3A_67 = arith.constant dense<0.000000e+00> : vector<98x256xf32>
    %dot_general3A_68 = tpu.matmul %convert_element_type3A_54, %get3A_66, %dot_general3A_67 {dimension_numbers = #tpu.dot_dimension_numbers<[1], [0], [0], [1], [0, 0, 1, 1], [], []>, transpose_lhs_hint = false} : vector<98x4096xbf16>, vector<4096x256xbf16>, vector<98x256xf32> -> vector<98x256xf32>
    %add3A_69 = arith.addf %dot_general3A_61, %dot_general3A_68 : vector<98x256xf32>
    %add3A_70 = arith.addf %add3A_44, %add3A_69 : vector<98x256xf32>
    %get3A_71 = arith.constant 0 : index
    %get3A_72 = arith.constant 1 : index
    %get3A_73 = arith.constant 1 : index
    %get3A_74 = arith.constant 0 : index
    %get3A_75 = vector.load %arg1[%get3A_71, %get3A_72, %get3A_73, %get3A_74] : memref<2x8x8x4096xf32, #tpu.memory_space<vmem>>, vector<2x7x7x4096xf32>
    %reshape3A_76 = vector.shape_cast %get3A_75 : vector<2x7x7x4096xf32> to vector<98x4096xf32>
    %convert_element_type3A_77 = arith.truncf %reshape3A_76 : vector<98x4096xf32> to vector<98x4096xbf16>
    %convert_element_type3A_78 = arith.extf %convert_element_type3A_77 : vector<98x4096xbf16> to vector<98x4096xf32>
    %sub3A_79 = arith.subf %reshape3A_76, %convert_element_type3A_78 : vector<98x4096xf32>
    %convert_element_type3A_80 = arith.truncf %sub3A_79 : vector<98x4096xf32> to vector<98x4096xbf16>
    %get3A_81 = arith.constant 3 : index
    %get3A_82 = arith.constant 0 : index
    %get3A_83 = arith.constant 0 : index
    %get3A_84 = vector.load %arg2[%get3A_81, %get3A_82, %get3A_83] : memref<4x4096x256xbf16, #tpu.memory_space<vmem>>, vector<1x4096x256xbf16>
    %get3A_85 = vector.shape_cast %get3A_84 : vector<1x4096x256xbf16> to vector<4096x256xbf16>
    %dot_general3A_86 = arith.constant dense<0.000000e+00> : vector<98x256xf32>
    %dot_general3A_87 = tpu.matmul %convert_element_type3A_77, %get3A_85, %dot_general3A_86 {dimension_numbers = #tpu.dot_dimension_numbers<[1], [0], [0], [1], [0, 0, 1, 1], [], []>, transpose_lhs_hint = false} : vector<98x4096xbf16>, vector<4096x256xbf16>, vector<98x256xf32> -> vector<98x256xf32>
    %get3A_88 = arith.constant 3 : index
    %get3A_89 = arith.constant 0 : index
    %get3A_90 = arith.constant 0 : index
    %get3A_91 = vector.load %arg2[%get3A_88, %get3A_89, %get3A_90] : memref<4x4096x256xbf16, #tpu.memory_space<vmem>>, vector<1x4096x256xbf16>
    %get3A_92 = vector.shape_cast %get3A_91 : vector<1x4096x256xbf16> to vector<4096x256xbf16>
    %dot_general3A_93 = arith.constant dense<0.000000e+00> : vector<98x256xf32>
    %dot_general3A_94 = tpu.matmul %convert_element_type3A_80, %get3A_92, %dot_general3A_93 {dimension_numbers = #tpu.dot_dimension_numbers<[1], [0], [0], [1], [0, 0, 1, 1], [], []>, transpose_lhs_hint = false} : vector<98x4096xbf16>, vector<4096x256xbf16>, vector<98x256xf32> -> vector<98x256xf32>
    %add3A_95 = arith.addf %dot_general3A_87, %dot_general3A_94 : vector<98x256xf32>
    %add3A_96 = arith.addf %add3A_70, %add3A_95 : vector<98x256xf32>
    %get3A_97 = arith.constant 0 : index
    %get3A_98 = arith.constant 0 : index
    %get3A_99 = vector.load %arg3[%get3A_97, %get3A_98] : memref<2x256xf32, #tpu.memory_space<vmem>>, vector<1x256xf32>
    %mul3A = vector.broadcast %get3A_99 : vector<1x256xf32> to vector<98x256xf32>
    %mul3A_100 = arith.mulf %add3A_96, %mul3A : vector<98x256xf32>
    %get3A_101 = arith.constant 1 : index
    %get3A_102 = arith.constant 0 : index
    %get3A_103 = vector.load %arg3[%get3A_101, %get3A_102] : memref<2x256xf32, #tpu.memory_space<vmem>>, vector<1x256xf32>
    %add3A_104 = vector.broadcast %get3A_103 : vector<1x256xf32> to vector<98x256xf32>
    %add3A_105 = arith.addf %mul3A_100, %add3A_104 : vector<98x256xf32>
    %ge3A = arith.constant 0.000000e+00 : f32
    %ge3A_106 = vector.broadcast %ge3A : f32 to vector<98x256xf32>
    %ge3A_107 = arith.cmpf oge, %add3A_105, %ge3A_106 : vector<98x256xf32>
    %mul3A_108 = arith.constant 1.000000e-01 : f32
    %mul3A_109 = vector.broadcast %mul3A_108 : f32 to vector<98x256xf32>
    %mul3A_110 = arith.mulf %mul3A_109, %add3A_105 : vector<98x256xf32>
    %select_n3A = arith.select %ge3A_107, %add3A_105, %mul3A_110 : vector<98x256xi1>, vector<98x256xf32>
    %reshape3A_111 = vector.shape_cast %select_n3A : vector<98x256xf32> to vector<2x7x7x256xf32>
    %swap3A = arith.constant 0 : index
    %swap3A_112 = arith.constant 0 : index
    %swap3A_113 = arith.constant 0 : index
    %swap3A_114 = arith.constant 0 : index
    %swap3A_115 = vector.load %arg4[%swap3A, %swap3A_112, %swap3A_113, %swap3A_114] : memref<2x7x7x256xf32, #tpu.memory_space<vmem>>, vector<2x7x7x256xf32>
    tpu.vector_store %arg4[%swap3A, %swap3A_112, %swap3A_113, %swap3A_114], %reshape3A_111 {strides = array<i32>} : memref<2x7x7x256xf32, #tpu.memory_space<vmem>>, vector<2x7x7x256xf32>,
    return
  }
  func.func @transform_0(%arg0: i32) -> (i32, i32, i32, i32) {
    %c0_i32 = arith.constant 0 : i32
    %c0_i32_0 = arith.constant 0 : i32
    %c0_i32_1 = arith.constant 0 : i32
    %c0_i32_2 = arith.constant 0 : i32
    %c0_i32_3 = arith.constant 0 : i32
    return %c0_i32, %c0_i32_0, %c0_i32_1, %c0_i32_2 : i32, i32, i32, i32
  }
  func.func @transform_1(%arg0: i32) -> (i32, i32, i32) {
    %c0_i32 = arith.constant 0 : i32
    %c0_i32_0 = arith.constant 0 : i32
    %c0_i32_1 = arith.constant 0 : i32
    return %c0_i32, %c0_i32_0, %arg0 : i32, i32, i32
  }
  func.func @transform_2(%arg0: i32) -> (i32, i32) {
    %c0_i32 = arith.constant 0 : i32
    %c0_i32_0 = arith.constant 0 : i32
    return %c0_i32, %arg0 : i32, i32
  }
  func.func @transform_3(%arg0: i32) -> (i32, i32, i32, i32) {
    %c0_i32 = arith.constant 0 : i32
    %c0_i32_0 = arith.constant 0 : i32
    %c0_i32_1 = arith.constant 0 : i32
    %c0_i32_2 = arith.constant 0 : i32
    return %c0_i32, %c0_i32_0, %c0_i32_1, %arg0 : i32, i32, i32, i32
  }
}

module attributes {stable_mosaic.version = 14 : i64} {
  func.func @_conv3_body(%arg0: i32, %arg1: i32, %arg2: i32, %arg3: memref<1x9x9x1024xf32, #tpu.memory_space<vmem>>, %arg4: memref<3x3072x256xbf16, #tpu.memory_space<vmem>>, %arg5: memref<2x256xf32, #tpu.memory_space<vmem>>, %arg6: memref<1x7x7x256xf32, #tpu.memory_space<vmem>>) attributes {dimension_semantics = [#tpu.dimension_semantics<arbitrary>, #tpu.dimension_semantics<arbitrary>, #tpu.dimension_semantics<arbitrary>], iteration_bounds = array<i64: 2, 1, 4>, scalar_prefetch = 0 : i64, scratch_operands = 0 : i64, tpu.core_type = #tpu.core_type<tc>, window_params = [{transform_indices = @transform_0, window_bounds = array<i64: 1, 9, 9, 1024>}, {transform_indices = @transform_1, window_bounds = array<i64: 3, 3072, 256>}, {transform_indices = @transform_2, window_bounds = array<i64: 2, 256>}, {transform_indices = @transform_3, window_bounds = array<i64: 1, 7, 7, 256>}]} {
    %mul3A = arith.constant 7 : i32
    %mul3A_0 = arith.muli %arg1, %mul3A : i32
    %add3A = arith.constant 0 : i32
    %add3A_1 = arith.addi %mul3A_0, %add3A : i32
    %get3A = arith.constant 0 : index
    %get3A_2 = arith.index_cast %add3A_1 : i32 to index
    %get3A_3 = arith.constant 0 : index
    %get3A_4 = arith.constant 0 : index
    %get3A_5 = vector.load %arg3[%get3A, %get3A_2, %get3A_3, %get3A_4] : memref<1x9x9x1024xf32, #tpu.memory_space<vmem>>, vector<1x7x9x1024xf32>
    %get3A_6 = vector.shape_cast %get3A_5 : vector<1x7x9x1024xf32> to vector<7x9x1024xf32>
    %slice3A = vector.extract_strided_slice %get3A_6 {offsets = [0, 0, 0], sizes = [7, 7, 1024], strides = [1, 1, 1]} : vector<7x9x1024xf32> to vector<7x7x1024xf32>
    %slice3A_7 = vector.extract_strided_slice %get3A_6 {offsets = [0, 1, 0], sizes = [7, 7, 1024], strides = [1, 1, 1]} : vector<7x9x1024xf32> to vector<7x7x1024xf32>
    %slice3A_8 = vector.extract_strided_slice %get3A_6 {offsets = [0, 2, 0], sizes = [7, 7, 1024], strides = [1, 1, 1]} : vector<7x9x1024xf32> to vector<7x7x1024xf32>
    %concatenate3A = tpu.concatenate %slice3A, %slice3A_7, %slice3A_8 in 2 : vector<7x7x1024xf32>, vector<7x7x1024xf32>, vector<7x7x1024xf32> -> vector<7x7x3072xf32>
    %reshape3A = vector.shape_cast %concatenate3A : vector<7x7x3072xf32> to vector<49x3072xf32>
    %convert_element_type3A = arith.truncf %reshape3A : vector<49x3072xf32> to vector<49x3072xbf16>
    %convert_element_type3A_9 = arith.extf %convert_element_type3A : vector<49x3072xbf16> to vector<49x3072xf32>
    %sub3A = arith.subf %reshape3A, %convert_element_type3A_9 : vector<49x3072xf32>
    %convert_element_type3A_10 = arith.truncf %sub3A : vector<49x3072xf32> to vector<49x3072xbf16>
    %get3A_11 = arith.constant 0 : index
    %get3A_12 = arith.constant 0 : index
    %get3A_13 = arith.constant 0 : index
    %get3A_14 = vector.load %arg4[%get3A_11, %get3A_12, %get3A_13] : memref<3x3072x256xbf16, #tpu.memory_space<vmem>>, vector<1x3072x256xbf16>
    %get3A_15 = vector.shape_cast %get3A_14 : vector<1x3072x256xbf16> to vector<3072x256xbf16>
    %dot_general3A = arith.constant dense<0.000000e+00> : vector<49x256xf32>
    %dot_general3A_16 = tpu.matmul %convert_element_type3A, %get3A_15, %dot_general3A {dimension_numbers = #tpu.dot_dimension_numbers<[1], [0], [0], [1], [0, 0, 1, 1], [], []>, transpose_lhs_hint = false} : vector<49x3072xbf16>, vector<3072x256xbf16>, vector<49x256xf32> -> vector<49x256xf32>
    %get3A_17 = arith.constant 0 : index
    %get3A_18 = arith.constant 0 : index
    %get3A_19 = arith.constant 0 : index
    %get3A_20 = vector.load %arg4[%get3A_17, %get3A_18, %get3A_19] : memref<3x3072x256xbf16, #tpu.memory_space<vmem>>, vector<1x3072x256xbf16>
    %get3A_21 = vector.shape_cast %get3A_20 : vector<1x3072x256xbf16> to vector<3072x256xbf16>
    %dot_general3A_22 = arith.constant dense<0.000000e+00> : vector<49x256xf32>
    %dot_general3A_23 = tpu.matmul %convert_element_type3A_10, %get3A_21, %dot_general3A_22 {dimension_numbers = #tpu.dot_dimension_numbers<[1], [0], [0], [1], [0, 0, 1, 1], [], []>, transpose_lhs_hint = false} : vector<49x3072xbf16>, vector<3072x256xbf16>, vector<49x256xf32> -> vector<49x256xf32>
    %add3A_24 = arith.addf %dot_general3A_16, %dot_general3A_23 : vector<49x256xf32>
    %add3A_25 = arith.constant 1 : i32
    %add3A_26 = arith.addi %mul3A_0, %add3A_25 : i32
    %get3A_27 = arith.constant 0 : index
    %get3A_28 = arith.index_cast %add3A_26 : i32 to index
    %get3A_29 = arith.constant 0 : index
    %get3A_30 = arith.constant 0 : index
    %get3A_31 = vector.load %arg3[%get3A_27, %get3A_28, %get3A_29, %get3A_30] : memref<1x9x9x1024xf32, #tpu.memory_space<vmem>>, vector<1x7x9x1024xf32>
    %get3A_32 = vector.shape_cast %get3A_31 : vector<1x7x9x1024xf32> to vector<7x9x1024xf32>
    %slice3A_33 = vector.extract_strided_slice %get3A_32 {offsets = [0, 0, 0], sizes = [7, 7, 1024], strides = [1, 1, 1]} : vector<7x9x1024xf32> to vector<7x7x1024xf32>
    %slice3A_34 = vector.extract_strided_slice %get3A_32 {offsets = [0, 1, 0], sizes = [7, 7, 1024], strides = [1, 1, 1]} : vector<7x9x1024xf32> to vector<7x7x1024xf32>
    %slice3A_35 = vector.extract_strided_slice %get3A_32 {offsets = [0, 2, 0], sizes = [7, 7, 1024], strides = [1, 1, 1]} : vector<7x9x1024xf32> to vector<7x7x1024xf32>
    %concatenate3A_36 = tpu.concatenate %slice3A_33, %slice3A_34, %slice3A_35 in 2 : vector<7x7x1024xf32>, vector<7x7x1024xf32>, vector<7x7x1024xf32> -> vector<7x7x3072xf32>
    %reshape3A_37 = vector.shape_cast %concatenate3A_36 : vector<7x7x3072xf32> to vector<49x3072xf32>
    %convert_element_type3A_38 = arith.truncf %reshape3A_37 : vector<49x3072xf32> to vector<49x3072xbf16>
    %convert_element_type3A_39 = arith.extf %convert_element_type3A_38 : vector<49x3072xbf16> to vector<49x3072xf32>
    %sub3A_40 = arith.subf %reshape3A_37, %convert_element_type3A_39 : vector<49x3072xf32>
    %convert_element_type3A_41 = arith.truncf %sub3A_40 : vector<49x3072xf32> to vector<49x3072xbf16>
    %get3A_42 = arith.constant 1 : index
    %get3A_43 = arith.constant 0 : index
    %get3A_44 = arith.constant 0 : index
    %get3A_45 = vector.load %arg4[%get3A_42, %get3A_43, %get3A_44] : memref<3x3072x256xbf16, #tpu.memory_space<vmem>>, vector<1x3072x256xbf16>
    %get3A_46 = vector.shape_cast %get3A_45 : vector<1x3072x256xbf16> to vector<3072x256xbf16>
    %dot_general3A_47 = arith.constant dense<0.000000e+00> : vector<49x256xf32>
    %dot_general3A_48 = tpu.matmul %convert_element_type3A_38, %get3A_46, %dot_general3A_47 {dimension_numbers = #tpu.dot_dimension_numbers<[1], [0], [0], [1], [0, 0, 1, 1], [], []>, transpose_lhs_hint = false} : vector<49x3072xbf16>, vector<3072x256xbf16>, vector<49x256xf32> -> vector<49x256xf32>
    %get3A_49 = arith.constant 1 : index
    %get3A_50 = arith.constant 0 : index
    %get3A_51 = arith.constant 0 : index
    %get3A_52 = vector.load %arg4[%get3A_49, %get3A_50, %get3A_51] : memref<3x3072x256xbf16, #tpu.memory_space<vmem>>, vector<1x3072x256xbf16>
    %get3A_53 = vector.shape_cast %get3A_52 : vector<1x3072x256xbf16> to vector<3072x256xbf16>
    %dot_general3A_54 = arith.constant dense<0.000000e+00> : vector<49x256xf32>
    %dot_general3A_55 = tpu.matmul %convert_element_type3A_41, %get3A_53, %dot_general3A_54 {dimension_numbers = #tpu.dot_dimension_numbers<[1], [0], [0], [1], [0, 0, 1, 1], [], []>, transpose_lhs_hint = false} : vector<49x3072xbf16>, vector<3072x256xbf16>, vector<49x256xf32> -> vector<49x256xf32>
    %add3A_56 = arith.addf %dot_general3A_48, %dot_general3A_55 : vector<49x256xf32>
    %add3A_57 = arith.addf %add3A_24, %add3A_56 : vector<49x256xf32>
    %add3A_58 = arith.constant 2 : i32
    %add3A_59 = arith.addi %mul3A_0, %add3A_58 : i32
    %get3A_60 = arith.constant 0 : index
    %get3A_61 = arith.index_cast %add3A_59 : i32 to index
    %get3A_62 = arith.constant 0 : index
    %get3A_63 = arith.constant 0 : index
    %get3A_64 = vector.load %arg3[%get3A_60, %get3A_61, %get3A_62, %get3A_63] : memref<1x9x9x1024xf32, #tpu.memory_space<vmem>>, vector<1x7x9x1024xf32>
    %get3A_65 = vector.shape_cast %get3A_64 : vector<1x7x9x1024xf32> to vector<7x9x1024xf32>
    %slice3A_66 = vector.extract_strided_slice %get3A_65 {offsets = [0, 0, 0], sizes = [7, 7, 1024], strides = [1, 1, 1]} : vector<7x9x1024xf32> to vector<7x7x1024xf32>
    %slice3A_67 = vector.extract_strided_slice %get3A_65 {offsets = [0, 1, 0], sizes = [7, 7, 1024], strides = [1, 1, 1]} : vector<7x9x1024xf32> to vector<7x7x1024xf32>
    %slice3A_68 = vector.extract_strided_slice %get3A_65 {offsets = [0, 2, 0], sizes = [7, 7, 1024], strides = [1, 1, 1]} : vector<7x9x1024xf32> to vector<7x7x1024xf32>
    %concatenate3A_69 = tpu.concatenate %slice3A_66, %slice3A_67, %slice3A_68 in 2 : vector<7x7x1024xf32>, vector<7x7x1024xf32>, vector<7x7x1024xf32> -> vector<7x7x3072xf32>
    %reshape3A_70 = vector.shape_cast %concatenate3A_69 : vector<7x7x3072xf32> to vector<49x3072xf32>
    %convert_element_type3A_71 = arith.truncf %reshape3A_70 : vector<49x3072xf32> to vector<49x3072xbf16>
    %convert_element_type3A_72 = arith.extf %convert_element_type3A_71 : vector<49x3072xbf16> to vector<49x3072xf32>
    %sub3A_73 = arith.subf %reshape3A_70, %convert_element_type3A_72 : vector<49x3072xf32>
    %convert_element_type3A_74 = arith.truncf %sub3A_73 : vector<49x3072xf32> to vector<49x3072xbf16>
    %get3A_75 = arith.constant 2 : index
    %get3A_76 = arith.constant 0 : index
    %get3A_77 = arith.constant 0 : index
    %get3A_78 = vector.load %arg4[%get3A_75, %get3A_76, %get3A_77] : memref<3x3072x256xbf16, #tpu.memory_space<vmem>>, vector<1x3072x256xbf16>
    %get3A_79 = vector.shape_cast %get3A_78 : vector<1x3072x256xbf16> to vector<3072x256xbf16>
    %dot_general3A_80 = arith.constant dense<0.000000e+00> : vector<49x256xf32>
    %dot_general3A_81 = tpu.matmul %convert_element_type3A_71, %get3A_79, %dot_general3A_80 {dimension_numbers = #tpu.dot_dimension_numbers<[1], [0], [0], [1], [0, 0, 1, 1], [], []>, transpose_lhs_hint = false} : vector<49x3072xbf16>, vector<3072x256xbf16>, vector<49x256xf32> -> vector<49x256xf32>
    %get3A_82 = arith.constant 2 : index
    %get3A_83 = arith.constant 0 : index
    %get3A_84 = arith.constant 0 : index
    %get3A_85 = vector.load %arg4[%get3A_82, %get3A_83, %get3A_84] : memref<3x3072x256xbf16, #tpu.memory_space<vmem>>, vector<1x3072x256xbf16>
    %get3A_86 = vector.shape_cast %get3A_85 : vector<1x3072x256xbf16> to vector<3072x256xbf16>
    %dot_general3A_87 = arith.constant dense<0.000000e+00> : vector<49x256xf32>
    %dot_general3A_88 = tpu.matmul %convert_element_type3A_74, %get3A_86, %dot_general3A_87 {dimension_numbers = #tpu.dot_dimension_numbers<[1], [0], [0], [1], [0, 0, 1, 1], [], []>, transpose_lhs_hint = false} : vector<49x3072xbf16>, vector<3072x256xbf16>, vector<49x256xf32> -> vector<49x256xf32>
    %add3A_89 = arith.addf %dot_general3A_81, %dot_general3A_88 : vector<49x256xf32>
    %add3A_90 = arith.addf %add3A_57, %add3A_89 : vector<49x256xf32>
    %get3A_91 = arith.constant 0 : index
    %get3A_92 = arith.constant 0 : index
    %get3A_93 = vector.load %arg5[%get3A_91, %get3A_92] : memref<2x256xf32, #tpu.memory_space<vmem>>, vector<1x256xf32>
    %mul3A_94 = vector.broadcast %get3A_93 : vector<1x256xf32> to vector<49x256xf32>
    %mul3A_95 = arith.mulf %add3A_90, %mul3A_94 : vector<49x256xf32>
    %get3A_96 = arith.constant 1 : index
    %get3A_97 = arith.constant 0 : index
    %get3A_98 = vector.load %arg5[%get3A_96, %get3A_97] : memref<2x256xf32, #tpu.memory_space<vmem>>, vector<1x256xf32>
    %add3A_99 = vector.broadcast %get3A_98 : vector<1x256xf32> to vector<49x256xf32>
    %add3A_100 = arith.addf %mul3A_95, %add3A_99 : vector<49x256xf32>
    %ge3A = arith.constant 0.000000e+00 : f32
    %ge3A_101 = vector.broadcast %ge3A : f32 to vector<49x256xf32>
    %ge3A_102 = arith.cmpf oge, %add3A_100, %ge3A_101 : vector<49x256xf32>
    %mul3A_103 = arith.constant 1.000000e-01 : f32
    %mul3A_104 = vector.broadcast %mul3A_103 : f32 to vector<49x256xf32>
    %mul3A_105 = arith.mulf %mul3A_104, %add3A_100 : vector<49x256xf32>
    %select_n3A = arith.select %ge3A_102, %add3A_100, %mul3A_105 : vector<49x256xi1>, vector<49x256xf32>
    %reshape3A_106 = vector.shape_cast %select_n3A : vector<49x256xf32> to vector<7x7x256xf32>
    %swap3A = arith.constant 0 : index
    %swap3A_107 = arith.constant 0 : index
    %swap3A_108 = arith.constant 0 : index
    %swap3A_109 = arith.constant 0 : index
    %swap3A_110 = vector.load %arg6[%swap3A, %swap3A_107, %swap3A_108, %swap3A_109] : memref<1x7x7x256xf32, #tpu.memory_space<vmem>>, vector<1x7x7x256xf32>
    %swap3A_111 = vector.shape_cast %swap3A_110 : vector<1x7x7x256xf32> to vector<7x7x256xf32>
    %swap3A_112 = vector.shape_cast %reshape3A_106 : vector<7x7x256xf32> to vector<1x7x7x256xf32>
    tpu.vector_store %arg6[%swap3A, %swap3A_107, %swap3A_108, %swap3A_109], %swap3A_112 {strides = array<i32>} : memref<1x7x7x256xf32, #tpu.memory_space<vmem>>, vector<1x7x7x256xf32>,
    return
  }
  func.func @transform_0(%arg0: i32, %arg1: i32, %arg2: i32) -> (i32, i32, i32, i32) {
    %c0_i32 = arith.constant 0 : i32
    %c0_i32_0 = arith.constant 0 : i32
    %c0_i32_1 = arith.constant 0 : i32
    %c0_i32_2 = arith.constant 0 : i32
    return %arg0, %c0_i32, %c0_i32_0, %c0_i32_1 : i32, i32, i32, i32
  }
  func.func @transform_1(%arg0: i32, %arg1: i32, %arg2: i32) -> (i32, i32, i32) {
    %c0_i32 = arith.constant 0 : i32
    %c0_i32_0 = arith.constant 0 : i32
    %c0_i32_1 = arith.constant 0 : i32
    return %c0_i32, %c0_i32_0, %arg2 : i32, i32, i32
  }
  func.func @transform_2(%arg0: i32, %arg1: i32, %arg2: i32) -> (i32, i32) {
    %c0_i32 = arith.constant 0 : i32
    %c0_i32_0 = arith.constant 0 : i32
    return %c0_i32, %arg2 : i32, i32
  }
  func.func @transform_3(%arg0: i32, %arg1: i32, %arg2: i32) -> (i32, i32, i32, i32) {
    %c0_i32 = arith.constant 0 : i32
    %c0_i32_0 = arith.constant 0 : i32
    return %arg0, %arg1, %c0_i32, %arg2 : i32, i32, i32, i32
  }
}

module attributes {stable_mosaic.version = 14 : i64} {
  func.func @_fc_body(%arg0: i32, %arg1: i32, %arg2: memref<2x1792xf32, #tpu.memory_space<vmem>>, %arg3: memref<256x1792xf32, #tpu.memory_space<vmem>>, %arg4: memref<1x256xf32, #tpu.memory_space<vmem>>, %arg5: memref<2x256xf32, #tpu.memory_space<vmem>>) attributes {dimension_semantics = [#tpu.dimension_semantics<arbitrary>, #tpu.dimension_semantics<arbitrary>], iteration_bounds = array<i64: 16, 28>, scalar_prefetch = 0 : i64, scratch_operands = 0 : i64, tpu.core_type = #tpu.core_type<tc>, window_params = [{transform_indices = @transform_0, window_bounds = array<i64: 2, 1792>}, {transform_indices = @transform_1, window_bounds = array<i64: 256, 1792>}, {transform_indices = @transform_2, window_bounds = array<i64: 1, 256>}, {transform_indices = @transform_3, window_bounds = array<i64: 2, 256>}]} {
    %eq3A = arith.constant 0 : i32
    %eq3A_0 = arith.cmpi eq, %arg1, %eq3A : i32
    %convert_element_type3A = arith.extui %eq3A_0 : i1 to i32
    %cond3A = arith.constant 0 : i32
    %cond3A_1 = arith.cmpi ne, %convert_element_type3A, %cond3A : i32
    scf.if %cond3A_1 {
      %broadcast_in_dim3A = arith.constant 0.000000e+00 : f32
      %broadcast_in_dim3A_25 = vector.broadcast %broadcast_in_dim3A : f32 to vector<2x256xf32>
      %swap3A_26 = arith.constant 0 : index
      %swap3A_27 = arith.constant 0 : index
      %swap3A_28 = vector.load %arg5[%swap3A_26, %swap3A_27] : memref<2x256xf32, #tpu.memory_space<vmem>>, vector<2x256xf32>
      tpu.vector_store %arg5[%swap3A_26, %swap3A_27], %broadcast_in_dim3A_25 {strides = array<i32>} : memref<2x256xf32, #tpu.memory_space<vmem>>, vector<2x256xf32>,
    } else {
    }
    %get3A = arith.constant 0 : index
    %get3A_2 = arith.constant 0 : index
    %get3A_3 = vector.load %arg2[%get3A, %get3A_2] : memref<2x1792xf32, #tpu.memory_space<vmem>>, vector<2x1792xf32>
    %convert_element_type3A_4 = arith.truncf %get3A_3 : vector<2x1792xf32> to vector<2x1792xbf16>
    %convert_element_type3A_5 = arith.extf %convert_element_type3A_4 : vector<2x1792xbf16> to vector<2x1792xf32>
    %sub3A = arith.subf %get3A_3, %convert_element_type3A_5 : vector<2x1792xf32>
    %convert_element_type3A_6 = arith.truncf %sub3A : vector<2x1792xf32> to vector<2x1792xbf16>
    %get3A_7 = arith.constant 0 : index
    %get3A_8 = arith.constant 0 : index
    %get3A_9 = vector.load %arg3[%get3A_7, %get3A_8] : memref<256x1792xf32, #tpu.memory_space<vmem>>, vector<256x1792xf32>
    %convert_element_type3A_10 = arith.truncf %get3A_9 : vector<256x1792xf32> to vector<256x1792xbf16>
    %get3A_11 = arith.constant 0 : index
    %get3A_12 = arith.constant 0 : index
    %get3A_13 = vector.load %arg5[%get3A_11, %get3A_12] : memref<2x256xf32, #tpu.memory_space<vmem>>, vector<2x256xf32>
    %dot_general3A = arith.constant dense<0.000000e+00> : vector<2x256xf32>
    %dot_general3A_14 = tpu.matmul %convert_element_type3A_4, %convert_element_type3A_10, %dot_general3A {dimension_numbers = #tpu.dot_dimension_numbers<[1], [1], [0], [0], [0, 0, 1, 0], [], []>, transpose_lhs_hint = false} : vector<2x1792xbf16>, vector<256x1792xbf16>, vector<2x256xf32> -> vector<2x256xf32>
    %dot_general3A_15 = arith.constant dense<0.000000e+00> : vector<2x256xf32>
    %dot_general3A_16 = tpu.matmul %convert_element_type3A_6, %convert_element_type3A_10, %dot_general3A_15 {dimension_numbers = #tpu.dot_dimension_numbers<[1], [1], [0], [0], [0, 0, 1, 0], [], []>, transpose_lhs_hint = false} : vector<2x1792xbf16>, vector<256x1792xbf16>, vector<2x256xf32> -> vector<2x256xf32>
    %add3A = arith.addf %dot_general3A_14, %dot_general3A_16 : vector<2x256xf32>
    %add3A_17 = arith.addf %get3A_13, %add3A : vector<2x256xf32>
    %swap3A = arith.constant 0 : index
    %swap3A_18 = arith.constant 0 : index
    %swap3A_19 = vector.load %arg5[%swap3A, %swap3A_18] : memref<2x256xf32, #tpu.memory_space<vmem>>, vector<2x256xf32>
    tpu.vector_store %arg5[%swap3A, %swap3A_18], %add3A_17 {strides = array<i32>} : memref<2x256xf32, #tpu.memory_space<vmem>>, vector<2x256xf32>,
    %eq3A_20 = arith.constant 27 : i32
    %eq3A_21 = arith.cmpi eq, %arg1, %eq3A_20 : i32
    %convert_element_type3A_22 = arith.extui %eq3A_21 : i1 to i32
    %cond3A_23 = arith.constant 0 : i32
    %cond3A_24 = arith.cmpi ne, %convert_element_type3A_22, %cond3A_23 : i32
    scf.if %cond3A_24 {
      %get3A_25 = arith.constant 0 : index
      %get3A_26 = arith.constant 0 : index
      %get3A_27 = vector.load %arg5[%get3A_25, %get3A_26] : memref<2x256xf32, #tpu.memory_space<vmem>>, vector<2x256xf32>
      %get3A_28 = arith.constant 0 : index
      %get3A_29 = arith.constant 0 : index
      %get3A_30 = vector.load %arg4[%get3A_28, %get3A_29] : memref<1x256xf32, #tpu.memory_space<vmem>>, vector<1x256xf32>
      %add3A_31 = vector.broadcast %get3A_30 : vector<1x256xf32> to vector<2x256xf32>
      %add3A_32 = arith.addf %get3A_27, %add3A_31 : vector<2x256xf32>
      %ge3A = arith.constant 0.000000e+00 : f32
      %ge3A_33 = vector.broadcast %ge3A : f32 to vector<2x256xf32>
      %ge3A_34 = arith.cmpf oge, %add3A_32, %ge3A_33 : vector<2x256xf32>
      %mul3A = arith.constant 1.000000e-01 : f32
      %mul3A_35 = vector.broadcast %mul3A : f32 to vector<2x256xf32>
      %mul3A_36 = arith.mulf %mul3A_35, %add3A_32 : vector<2x256xf32>
      %select_n3A = arith.select %ge3A_34, %add3A_32, %mul3A_36 : vector<2x256xi1>, vector<2x256xf32>
      %swap3A_37 = arith.constant 0 : index
      %swap3A_38 = arith.constant 0 : index
      %swap3A_39 = vector.load %arg5[%swap3A_37, %swap3A_38] : memref<2x256xf32, #tpu.memory_space<vmem>>, vector<2x256xf32>
      tpu.vector_store %arg5[%swap3A_37, %swap3A_38], %select_n3A {strides = array<i32>} : memref<2x256xf32, #tpu.memory_space<vmem>>, vector<2x256xf32>,
    } else {
    }
    return
  }
  func.func @transform_0(%arg0: i32, %arg1: i32) -> (i32, i32) {
    %c0_i32 = arith.constant 0 : i32
    %c0_i32_0 = arith.constant 0 : i32
    return %c0_i32, %arg1 : i32, i32
  }
  func.func @transform_1(%arg0: i32, %arg1: i32) -> (i32, i32) {
    %c0_i32 = arith.constant 0 : i32
    return %arg0, %arg1 : i32, i32
  }
  func.func @transform_2(%arg0: i32, %arg1: i32) -> (i32, i32) {
    %c0_i32 = arith.constant 0 : i32
    %c0_i32_0 = arith.constant 0 : i32
    return %c0_i32, %arg0 : i32, i32
  }
  func.func @transform_3(%arg0: i32, %arg1: i32) -> (i32, i32) {
    %c0_i32 = arith.constant 0 : i32
    %c0_i32_0 = arith.constant 0 : i32
    return %c0_i32, %arg0 : i32, i32
  }
}

module attributes {stable_mosaic.version = 14 : i64} {
  func.func @_fc_body(%arg0: i32, %arg1: i32, %arg2: memref<2x4096xf32, #tpu.memory_space<vmem>>, %arg3: memref<256x4096xf32, #tpu.memory_space<vmem>>, %arg4: memref<1x256xf32, #tpu.memory_space<vmem>>, %arg5: memref<2x256xf32, #tpu.memory_space<vmem>>) attributes {dimension_semantics = [#tpu.dimension_semantics<arbitrary>, #tpu.dimension_semantics<arbitrary>], iteration_bounds = array<i64: 6, 1>, scalar_prefetch = 0 : i64, scratch_operands = 0 : i64, tpu.core_type = #tpu.core_type<tc>, window_params = [{transform_indices = @transform_0, window_bounds = array<i64: 2, 4096>}, {transform_indices = @transform_1, window_bounds = array<i64: 256, 4096>}, {transform_indices = @transform_2, window_bounds = array<i64: 1, 256>}, {transform_indices = @transform_3, window_bounds = array<i64: 2, 256>}]} {
    %eq3A = arith.constant 0 : i32
    %eq3A_0 = arith.cmpi eq, %arg1, %eq3A : i32
    %convert_element_type3A = arith.extui %eq3A_0 : i1 to i32
    %cond3A = arith.constant 0 : i32
    %cond3A_1 = arith.cmpi ne, %convert_element_type3A, %cond3A : i32
    scf.if %cond3A_1 {
      %broadcast_in_dim3A = arith.constant 0.000000e+00 : f32
      %broadcast_in_dim3A_25 = vector.broadcast %broadcast_in_dim3A : f32 to vector<2x256xf32>
      %swap3A_26 = arith.constant 0 : index
      %swap3A_27 = arith.constant 0 : index
      %swap3A_28 = vector.load %arg5[%swap3A_26, %swap3A_27] : memref<2x256xf32, #tpu.memory_space<vmem>>, vector<2x256xf32>
      tpu.vector_store %arg5[%swap3A_26, %swap3A_27], %broadcast_in_dim3A_25 {strides = array<i32>} : memref<2x256xf32, #tpu.memory_space<vmem>>, vector<2x256xf32>,
    } else {
    }
    %get3A = arith.constant 0 : index
    %get3A_2 = arith.constant 0 : index
    %get3A_3 = vector.load %arg2[%get3A, %get3A_2] : memref<2x4096xf32, #tpu.memory_space<vmem>>, vector<2x4096xf32>
    %convert_element_type3A_4 = arith.truncf %get3A_3 : vector<2x4096xf32> to vector<2x4096xbf16>
    %convert_element_type3A_5 = arith.extf %convert_element_type3A_4 : vector<2x4096xbf16> to vector<2x4096xf32>
    %sub3A = arith.subf %get3A_3, %convert_element_type3A_5 : vector<2x4096xf32>
    %convert_element_type3A_6 = arith.truncf %sub3A : vector<2x4096xf32> to vector<2x4096xbf16>
    %get3A_7 = arith.constant 0 : index
    %get3A_8 = arith.constant 0 : index
    %get3A_9 = vector.load %arg3[%get3A_7, %get3A_8] : memref<256x4096xf32, #tpu.memory_space<vmem>>, vector<256x4096xf32>
    %convert_element_type3A_10 = arith.truncf %get3A_9 : vector<256x4096xf32> to vector<256x4096xbf16>
    %get3A_11 = arith.constant 0 : index
    %get3A_12 = arith.constant 0 : index
    %get3A_13 = vector.load %arg5[%get3A_11, %get3A_12] : memref<2x256xf32, #tpu.memory_space<vmem>>, vector<2x256xf32>
    %dot_general3A = arith.constant dense<0.000000e+00> : vector<2x256xf32>
    %dot_general3A_14 = tpu.matmul %convert_element_type3A_4, %convert_element_type3A_10, %dot_general3A {dimension_numbers = #tpu.dot_dimension_numbers<[1], [1], [0], [0], [0, 0, 1, 0], [], []>, transpose_lhs_hint = false} : vector<2x4096xbf16>, vector<256x4096xbf16>, vector<2x256xf32> -> vector<2x256xf32>
    %dot_general3A_15 = arith.constant dense<0.000000e+00> : vector<2x256xf32>
    %dot_general3A_16 = tpu.matmul %convert_element_type3A_6, %convert_element_type3A_10, %dot_general3A_15 {dimension_numbers = #tpu.dot_dimension_numbers<[1], [1], [0], [0], [0, 0, 1, 0], [], []>, transpose_lhs_hint = false} : vector<2x4096xbf16>, vector<256x4096xbf16>, vector<2x256xf32> -> vector<2x256xf32>
    %add3A = arith.addf %dot_general3A_14, %dot_general3A_16 : vector<2x256xf32>
    %add3A_17 = arith.addf %get3A_13, %add3A : vector<2x256xf32>
    %swap3A = arith.constant 0 : index
    %swap3A_18 = arith.constant 0 : index
    %swap3A_19 = vector.load %arg5[%swap3A, %swap3A_18] : memref<2x256xf32, #tpu.memory_space<vmem>>, vector<2x256xf32>
    tpu.vector_store %arg5[%swap3A, %swap3A_18], %add3A_17 {strides = array<i32>} : memref<2x256xf32, #tpu.memory_space<vmem>>, vector<2x256xf32>,
    %eq3A_20 = arith.constant 0 : i32
    %eq3A_21 = arith.cmpi eq, %arg1, %eq3A_20 : i32
    %convert_element_type3A_22 = arith.extui %eq3A_21 : i1 to i32
    %cond3A_23 = arith.constant 0 : i32
    %cond3A_24 = arith.cmpi ne, %convert_element_type3A_22, %cond3A_23 : i32
    scf.if %cond3A_24 {
      %get3A_25 = arith.constant 0 : index
      %get3A_26 = arith.constant 0 : index
      %get3A_27 = vector.load %arg5[%get3A_25, %get3A_26] : memref<2x256xf32, #tpu.memory_space<vmem>>, vector<2x256xf32>
      %get3A_28 = arith.constant 0 : index
      %get3A_29 = arith.constant 0 : index
      %get3A_30 = vector.load %arg4[%get3A_28, %get3A_29] : memref<1x256xf32, #tpu.memory_space<vmem>>, vector<1x256xf32>
      %add3A_31 = vector.broadcast %get3A_30 : vector<1x256xf32> to vector<2x256xf32>
      %add3A_32 = arith.addf %get3A_27, %add3A_31 : vector<2x256xf32>
      %swap3A_33 = arith.constant 0 : index
      %swap3A_34 = arith.constant 0 : index
      %swap3A_35 = vector.load %arg5[%swap3A_33, %swap3A_34] : memref<2x256xf32, #tpu.memory_space<vmem>>, vector<2x256xf32>
      tpu.vector_store %arg5[%swap3A_33, %swap3A_34], %add3A_32 {strides = array<i32>} : memref<2x256xf32, #tpu.memory_space<vmem>>, vector<2x256xf32>,
    } else {
    }
    return
  }
  func.func @transform_0(%arg0: i32, %arg1: i32) -> (i32, i32) {
    %c0_i32 = arith.constant 0 : i32
    %c0_i32_0 = arith.constant 0 : i32
    return %c0_i32, %arg1 : i32, i32
  }
  func.func @transform_1(%arg0: i32, %arg1: i32) -> (i32, i32) {
    %c0_i32 = arith.constant 0 : i32
    return %arg0, %arg1 : i32, i32
  }
  func.func @transform_2(%arg0: i32, %arg1: i32) -> (i32, i32) {
    %c0_i32 = arith.constant 0 : i32
    %c0_i32_0 = arith.constant 0 : i32
    return %c0_i32, %arg0 : i32, i32
  }
  func.func @transform_3(%arg0: i32, %arg1: i32) -> (i32, i32) {
    %c0_i32 = arith.constant 0 : i32
    %c0_i32_0 = arith.constant 0 : i32
    return %c0_i32, %arg0 : i32, i32
  }
}

</mosaic_0001>

<sc_bundles>
// kernel: sparse-core-data-format-call.cloned.1.call-start
scs
called_computation_lowered:
.L_overlay_start_0:
0x0: {  	s1 =	sld [smem:$0x3FD9]  }
0x1: {  	s2 =	sld [smem:$0x3FFE];
	_ =	sdelay $0x1  }
0x2: {  	s3 =	srdreg.scid  }
0x3: {  	s0 =	sand.u32 $0x1, s3  }
0x4: {  	s17 =	sshll.u32 s0, $0xA;
	s1 =	sadd.s32 s2, s1  }
0x5: {  	s1 =	sadd.s32 s1, s17  }
0x6: {  	[smem:$0x3F51] =	sst s1  }
0x7: {  	_ = 	snop  }
0x8: {  	(tm) =	ssettm $0x1  }
0x9: {  	s18 =	sld [smem:$0x3FFB];
	_ =	sdelay $0x3  }
0xa: {  	_ =	strace s18  }
0xb: {  	s1 =	sld [smem:$0x3FFC];
	_ =	sdelay $0x3  }
0xc: {  	_ =	strace s1  }
0xd: {  	s1 =	sld [smem:$0x3FFD];
	_ =	sdelay $0x3  }
0xe: {  	_ =	strace s1  }
0xf: {  	_ =	strace $0x8FFFFFFF  }
0x10: {  	s19 =	sld [smem:$0x3FDB];
	_ =	sdelay $0x1  }
0x11: {  	s20 =	simm.s32 $_scs_section_size  }
0x12: {  	s4 =	simm.s32 $_size__tile_overlayer_lowered;
	s5 =	simm.s32 $_tile_overlayer_lowered  }
0x13: {  	s23 =	simm.s32 $0x1BFF;
	s22 =	sshll.u32 s5, $0x1;
	s1 =	sadd.s32 s20, s19  }
0x14: {  	s6 =	simm.s32 $0x0;
	s21 =	sshll.u32 s4, $0x1;
	s4 =	sadd.s32 s22, s1  }
0x15: {  	[timem:s6], [sflag:s23] =	dma.local [hbm:s4], s21  }
0x16: {  	_ =	swait.ge [sflag:s23], s21  }
0x17: {  	s2 =	ssub.s32 $0x0, s21;
	[sflag:s23] =	ssyncset.done $0x0  }
0x18: {  	[sflag:s23] =	ssyncadd.s32 s2;
	_ =	sdelay $0x1  }
0x19: {  	s24 =	simm.s32 $0x1B8B  }
0x1a: {  	_ =	swait.ge [sflag:s24], $0x1  }
0x1b: {  	[sflag:s24] =	ssyncset.done $0x0  }
0x1c: {  	s26 =	simm.s32 $0x1B8E;
	s25 =	sld [smem:$0x3FFE];
	[sflag:s24] =	ssyncadd.s32 $0xFFFFFFFF  }
0x1d: {  	s27 =	simm.s32 $execute0_lowered;
	[smem:$0x3FD2] =	sst s26  }
0x1e: {  	s4 =	sshll.u32 s27, $0x1;
	_ =	strace $0x80000046;
	[dreg:$0x1] =	wrdreg $0xFFFFFFFF  }
0x1f: {  	s28 =	simm.s32 $_size_execute0_lowered;
	s1 =	sadd.s32 s1, s4;
	[dreg:$0x0] =	wrdreg $0x0  }
0x20: {  	s4 =	sshll.u32 s28, $0x1;
	[dreg:$0x2] =	wrdreg s1  }
0x21: {  	[dreg:$0x3] =	wrdreg s4  }
0x22: {  	[dreg:$0x4] =	wrdreg $0xC0  }
0x23: {  	_ =	task [dreg:s6], $0x5FFFF  }
0x24: {  	[dreg:$0x1] =	wrdreg $0xFFFFFFFF  }
0x25: {  	[dreg:$0x0] =	wrdreg $0x60  }
0x26: {  	[dreg:$0x2] =	wrdreg s25  }
0x27: {  	[dreg:$0x3] =	wrdreg $0x9  }
0x28: {  	_ =	task.clear_ibuf [dreg:s6], $0x4FFFF;
	_ =	strace $0x90000046  }
0x29: {  	s29 =	simm.s32 $0x9;
	_ =	strace $0x80000048  }
0x2a: {  	_ =	swait.ge [sflag:s29], $0x1  }
0x2b: {  	[sflag:s29] =	ssyncadd.s32 $0xFFFFFFFF  }
0x2c: {  	_ =	strace $0x90000048  }
0x2d: {  	_ =	sfence  }
0x2e: {  	s30 =	sld [smem:$0x0];
	_ =	sdelay $0x2  }
0x2f: {  	s31 =	sshll.u32 s3, $0xD;
	s3 =	sshrl.u32 s3, $0x2  }
0x30: {  	s2 =	sand.u32 $0x4000, s31;
	s1 =	sadd.s32 s3, s30  }
0x31: {  	s0 =	sor.u32 s2, s0;
	s1 =	sshll.u32 s1, $0x11  }
0x32: {  	s0 =	sor.u32 s1, s0  }
0x33: {  	s0 =	sadd.s32 $0x8F2B, s0  }
0x34: {  	[sflag:s0] =	ssyncadd.remote.s32 $0x1  }
0x35: {  	_ =	sfence.sel $0xFFFF  }
0x36: {  	[dreg:$0x0] =	wrdreg $0xFFFFFFFF;
	(pc) =	sbr.abs _section_cstart, $3  }
0x37: {  	[dreg:$0x1] =	wrdreg $0xFFFFFFFF  }
0x38: {  	_ =	task.clear_ibuf [dreg:s6], $0x2FFFF;
	_ =	strace $0x9FFFFFFF  }
0x39: {  	(tm) =	ssettm $0x7FFFFFFF  }
tec
execute0_lowered:
.L_overlay_start_1:
0x0: {  	(tag) =	ssettag $0x1  }
0x1: {  	s4 =	stileid.u32  }
0x2: {  	s0 =	srdreg.scid;
	s10 =	rddreg [dreg:$0x0];
	_ =	strace $0x80000047  }
0x3: {  	s31 =	simm.s32 $0x2;
	p0 =	por $0x0, $0x0;
	s20 =	simm.s32 $0x0  }
0x4: {  	s13 =	simm.s32 $0x0;
	s19 =	simm.s32 $0x0;
	s2 =	sshrl.u32 s4, $0x1  }
0x5: {  	s3 =	sshrl.u32 s4, $0x2;
	s1 =	sand.u32 $0x1, s4;
	s4 =	sshrl.u32 s4, $0x3  }
0x6: {  	s0 =	sshll.u32 s0, $0x7;
	s30 =	sadd.s32 $0x113200, s10;
	s2 =	sand.u32 $0x1, s2  }
0x7: {  	s3 =	sand.u32 $0x1, s3;
	s5 =	ssub.s32 $0x2, s1;
	s7 =	ssub.s32 $0x2, s4  }
0x8: {  	[dreg:$0x2] =	wrdreg s30;
	s15 =	smov.u32 s4;
	s18 =	smov.u32 s1  }
0x9: {  	s6 =	sshrl.u32 s5, $0x1;
	s5 =	sand.u32 $0x1, s5;
	s8 =	ssub.s32 $0x2, s2  }
0xa: {  	s9 =	sshrl.u32 s7, $0x1;
	s7 =	sand.u32 $0x1, s7;
	s22 =	ssub.s32 $0x2, s3  }
0xb: {  	s16 =	smov.u32 s3;
	s5 =	sadd.s32 s5, s6;
	s7 =	sadd.s32 s7, s9  }
0xc: {  	s21 =	sshrl.u32 s8, $0x1;
	s8 =	sand.u32 $0x1, s8;
	s7 =	smul.u32 s7, s5  }
0xd: {  	s24 =	sshrl.u32 s22, $0x1;
	s5 =	sand.u32 $0x80, s0;
	s23 =	sadd.s32 s8, s21  }
0xe: {  	s25 =	sand.u32 $0x1, s22;
	s26 =	ssub.s32 $0x400, s5;
	s0 =	smul.u32 s23, s7  }
0xf: {  	s17 =	smov.u32 s2;
	s6 =	sadd.s32 s25, s24;
	s27 =	sshrl.u32 s26, $0x7  }
0x10: {  	s28 =	sshrl.u32 s26, $0x8;
	s7 =	sand.u32 $0x1, s27;
	s0 =	smul.u32 s6, s0  }
.Ltmp0:
0x11: {  	s9 =	simm.s32 $0x1;
	s29 =	sadd.s32 s28, s7;
	(pc) =	sbr.rel .LBB1_1-.Ltmp0, $4  }
0x12: {  	s22 =	simm.s32 $0x0;
	[sflag:s9] =	ssyncpa.u1 $0x0;
	s0 =	smul.u32 s29, s0  }
0x13: {  	s24 =	simm.s32 $0x0;
	s21 =	simm.s32 $0x0;
	s25 =	simm.s32 $0x0  }
0x14: {  	[sflag:s31] =	ssyncpa.u1 $0x0;
	s7 =	sadd.s32 $0x13200, s10;
	s10 =	sshll.u32 s0, $0x2  }
0x15: {  	s14 =	smov.u32 s5;
	s23 =	simm.s32 $0x0;
	s11 =	sor.u32 $0x1, s10  }
.LBB1_4:
0x16: {  	v7 =	vcombine.high v7, v9  }
0x17: {  	[tilespmem:s28+$0x1 ss:$0x81] =	vst.msk $0xffff, v11;
	v4 =	vperm.xlane.i2c.b16 v4;
	v49 =	vcombine.low v8, v10  }
0x18: {  	[tilespmem:s28+$0x810 ss:$0x81] =	vst.msk $0xffff, v12;
	v2 =	vperm.xlane.i2c.b16 v2;
	v51 =	vcombine.high v8, v10  }
0x19: {  	v48 =	vld [tilespmem:s29+$0x230];
	v5 =	vperm.xlane.i2c.b16 v5;
	v3 =	vperm.xlane.i2c.b16 v3;
	[tilespmem:s28+$0x811 ss:$0x81] =	vst.msk $0xffff, v7  }
0x1a: {  	v50 =	vld [tilespmem:s29+$0x240];
	[tilespmem:s28+$0x1020 ss:$0x81] =	vst.msk $0xffff, v49;
	v53 =	vcombine.low v4, v2  }
0x1b: {  	v52 =	vld [tilespmem:s29+$0x250];
	v55 =	vcombine.low v5, v3;
	[tilespmem:s28+$0x1021 ss:$0x81] =	vst.msk $0xffff, v51  }
0x1c: {  	v2 =	vcombine.high v4, v2;
	[tilespmem:s28+$0x1830 ss:$0x81] =	vst.msk $0xffff, v53  }
0x1d: {  	s0 =	sshll.u32 s24, $0xA;
	v57 =	vcombine.high v5, v3;
	[tilespmem:s28+$0x2040 ss:$0x81] =	vst.msk $0xffff, v55  }
0x1e: {  	v54 =	vperm.xlane.i2c.b16 v6;
	s6 =	sshll.u32 s20, $0x3;
	s29 =	sshll.u32 s24, $0x7;
	s8 =	sshll.u32 s20, $0x1;
	[tilespmem:s28+$0x1831 ss:$0x81] =	vst.msk $0xffff, v2  }
0x1f: {  	s12 =	sshll.u32 s25, $0x13;
	s23 =	sshll.u32 s23, $0x12;
	v0 =	vcombine.high v0, v1;
	s25 =	sshll.u32 s22, $0x11;
	v56 =	vperm.xlane.i2c.b16 v48;
	[tilespmem:s28+$0x2041 ss:$0x81] =	vst.msk $0xffff, v57  }
0x20: {  	s21 =	sshll.u32 s21, $0x10;
	s0 =	sand.u32 $0xFE000, s0;
	v58 =	vperm.xlane.i2c.b16 v50;
	v60 =	vperm.xlane.i2c.b16 v52;
	s31 =	rddreg [dreg:$0x2]  }
0x21: {  	s6 =	sand.u32 $0xFFC00, s6;
	s8 =	sand.u32 $0xF0, s8;
	v59 =	vcombine.low v54, v56;
	s12 =	sadd.s32 s31, s12  }
0x22: {  	s0 =	sadd.s32 s6, s0;
	s6 =	sand.u32 $0x300, s29;
	[tilespmem:s26+$0x3061 ss:$0x81] =	vst.msk $0xffff, v0;
	v62 =	vcombine.low v58, v60;
	s12 =	sadd.s32 s23, s12  }
0x23: {  	s6 =	sor.u32 s8, s6;
	s0 =	sshrl.u32 s0, $0x4;
	v61 =	vcombine.high v54, v56;
	[tilespmem:s28+$0x2850 ss:$0x81] =	vst.msk $0xffff, v59;
	s8 =	sadd.s32 s25, s12  }
0x24: {  	s6 =	sshrl.u32 s6, $0x4;
	s26 =	sand.u32 $0x7, s20;
	v63 =	vcombine.high v58, v60;
	[tilespmem:s28+$0x3060 ss:$0x81] =	vst.msk $0xffff, v62;
	s8 =	sadd.s32 s21, s8  }
0x25: {  	s0 =	sand.u32 $0xFFC0, s0;
	s27 =	sshll.u32 s26, $0x12;
	[tilespmem:s28+$0x2851 ss:$0x81] =	vst.msk $0xffff, v61;
	s6 =	sadd.s32 s6, s8  }
0x26: {  	s31 =	simm.s32 $0x1000;
	s29 =	sor.u32 $0x200, s27;
	[tilespmem:s28+$0x3061 ss:$0x81] =	vst.msk $0xffff, v63;
	s0 =	sadd.s32 s0, s6  }
0x27: {  	[hbm4b:s0+s29] =	stream.strided.scatter [tilespmem:s30], [sflag:$0x2], $0x4000, s31, s29, $0x20;
	[tilespmem:$0x10100] =	vst v63  }
.LBB1_5:
0x28: {  	s0 =	sadd.s32 $0x100, s13  }
0x29: {  	s6 =	sadd.s32 $0x100, s14;
	s8 =	smov.u32 s14;
	p2 =	sgt.s32 s0, $0x3FF  }
0x2a: {  	s8 =	smov.u32 @p2 s6  }
0x2b: {  	s12 =	smov.u32 s15;
	s6 =	sadd.s32 $0x2, s15;
	p3 =	sgt.s32 s8, $0x3FF  }
0x2c: {  	s26 =	smov.u32 s16;
	s12 =	smov.u32 @p3 s6  }
0x2d: {  	s27 =	smov.u32 s17;
	s6 =	sadd.s32 $0x2, s16;
	p4 =	sgt.s32 s12, $0x1  }
0x2e: {  	p1 =	slt.u32 s19, $0x2;
	s28 =	smov.u32 s18;
	s26 =	smov.u32 @p4 s6  }
0x2f: {  	s24 =	smov.u32 s13;
	s6 =	sadd.s32 $0x2, s17;
	p5 =	sgt.s32 s26, $0x1  }
0x30: {  	s20 =	smov.u32 s14;
	s21 =	smov.u32 s15;
	s27 =	smov.u32 @p5 s6  }
0x31: {  	s0 =	simm.s32 @p2 $0x0;
	s6 =	sadd.s32 $0x2, s18;
	p2 =	sgt.s32 s27, $0x1  }
0x32: {  	s22 =	smov.u32 s16;
	s23 =	smov.u32 s17;
	s28 =	smov.u32 @p2 s6  }
0x33: {  	s25 =	smov.u32 s18;
	s27 =	smov.u32 @p2 s2;
	p2 =	sgt.s32 s28, $0x1  }
0x34: {  	p0 =	por !p0, !p0;
	s28 =	smov.u32 @p2 s1;
	p2 =	sne.s32 s19, s11  }
.Ltmp1:
0x35: {  	s13 =	smov.u32 s0;
	s8 =	smov.u32 @p3 s5;
	(pc) =	sbr.rel @!p2 .LBB1_6-.Ltmp1, $4  }
0x36: {  	s14 =	smov.u32 s8;
	s12 =	smov.u32 @p4 s4;
	s6 =	simm.s32 @!p1 $0x2  }
0x37: {  	s15 =	smov.u32 s12;
	s26 =	smov.u32 @p5 s3;
	_ =	swait.ge @!p1 [sflag:s6], $0x4000  }
0x38: {  	s16 =	smov.u32 s26;
	s17 =	smov.u32 s27;
	[sflag:s6] =	ssyncset.done @!p1 $0x0  }
0x39: {  	s19 =	sadd.s32 $0x1, s19;
	[sflag:s6] =	ssyncadd.s32 @!p1 $0xFFFFC000;
	s18 =	smov.u32 s28  }
.LBB1_1:
0x3a: {  	p1 =	sge.u32 s19, s10  }
0x3b: {  	s31 =	sadd.s32 $0xFFFFFFFF, s19;
	s0 =	sxor.u32 @!p1 $0xFFFFFFFF, s19;
	s6 =	sshll.u32 @!p1 s14, $0xA  }
0x3c: {  	s26 =	sshll.u32 @!p1 s13, $0x3;
	s27 =	sshll.u32 @!p1 s14, $0x7;
	s6 =	sand.u32 @!p1 $0xFE000, s6  }
0x3d: {  	s6 =	sadd.s32 @!p1 s6, s26;
	s26 =	sand.u32 @!p1 $0x300, s27;
	s27 =	sshll.u32 @!p1 s18, $0x13  }
0x3e: {  	s28 =	sshll.u32 @!p1 s13, $0x1;
	s29 =	sshll.u32 @!p1 s17, $0x12;
	s27 =	sadd.s32 @!p1 s7, s27  }
0x3f: {  	s30 =	sshll.u32 @!p1 s16, $0x11;
	s28 =	sand.u32 @!p1 $0xF0, s28;
	s27 =	sadd.s32 @!p1 s29, s27  }
0x40: {  	s26 =	sor.u32 @!p1 s26, s28;
	s28 =	sshll.u32 @!p1 s15, $0x10;
	s27 =	sadd.s32 @!p1 s30, s27  }
0x41: {  	s6 =	sshrl.u32 @!p1 s6, $0x4;
	s26 =	sshrl.u32 @!p1 s26, $0x4;
	s27 =	sadd.s32 @!p1 s28, s27  }
0x42: {  	s6 =	sand.u32 @!p1 $0xFFC0, s6;
	s26 =	sadd.s32 @!p1 s26, s27;
	s27 =	sand.u32 @!p1 $0x7, s13  }
0x43: {  	s0 =	sshll.u32 @!p1 s0, $0xE;
	s6 =	sadd.s32 @!p1 s6, s26;
	s26 =	sshll.u32 @!p1 s27, $0x12  }
0x44: {  	s0 =	sand.u32 @!p1 $0x4000, s0;
	s27 =	simm.s32 @!p1 $0x1000;
	s26 =	sor.u32 @!p1 $0x400, s26  }
0x45: {  	[tilespmem:s0], [sflag:$0x1] =	stream.strided.gather @!p1 [hbm4b:s6+s26], $0x4000, s27, s26, $0x38;
	[tilespmem:$0x10100] =	vst v63  }
0x46: {  	p1 =	sge.u32 s31, s10  }
.Ltmp2:
0x47: {  	_ = 	snop;
	(pc) =	sbr.rel @p1 .LBB1_5-.Ltmp2, $1  }
0x48: {  	_ =	sdelay $0x3  }
0x49: {  	s6 =	sand.u32 $0x1, s19;
	s0 =	simm.s32 $0x0  }
0x4a: {  	_ =	swait.ge [sflag:s9], $0x4000;
	s27 =	sshll.u32 s6, $0xE;
	s26 =	sand.u32 $0x3C00, s0  }
0x4b: {  	[sflag:s9] =	ssyncset.done $0x0;
	s0 =	sand.u32 $0x180, s0;
	s26 =	sadd.s32 s26, s27  }
0x4c: {  	[sflag:s9] =	ssyncadd.s32 $0xFFFFC000;
	s0 =	sadd.s32 s0, s26  }
0x4d: {  	v0 =	vld [tilespmem:s0+$0x260]  }
0x4e: {  	v1 =	vld [tilespmem:s0+$0x270]  }
0x4f: {  	v2 =	vld [tilespmem:s0+$0x0]  }
0x50: {  	v3 =	vld [tilespmem:s0+$0x10]  }
0x51: {  	v4 =	vld [tilespmem:s0+$0x20]  }
0x52: {  	s26 =	simm.s32 $0x1;
	v5 =	vld [tilespmem:s0+$0x30]  }
0x53: {  	s26 =	simm.s32 @!p0 $0x0;
	v6 =	vld [tilespmem:s0+$0x40]  }
0x54: {  	v7 =	vld [tilespmem:s0+$0x50];
	s26 =	smul.u32 $0x10200, s26;
	v1 =	vperm.xlane.i2c.b16 v1;
	v0 =	vperm.xlane.i2c.b16 v0  }
0x55: {  	v8 =	vld [tilespmem:s0+$0x60];
	v2 =	vperm.xlane.i2c.b16 v2;
	v3 =	vperm.xlane.i2c.b16 v3  }
0x56: {  	v10 =	vld [tilespmem:s0+$0x70];
	s26 =	sshrl.u32 s26, $0x2;
	v9 =	vcombine.low v0, v1;
	v0 =	vcombine.high v0, v1  }
0x57: {  	s26 =	sor.u32 $0x8000, s26;
	v1 =	vperm.xlane.i2c.b16 v5;
	v5 =	vld [tilespmem:s0+$0x200];
	v11 =	vcombine.low v2, v3  }
0x58: {  	v4 =	vperm.xlane.i2c.b16 v4;
	v2 =	vcombine.high v2, v3;
	v3 =	vld [tilespmem:s0+$0x210];
	[tilespmem:s26+$0x3870 ss:$0x81] =	vst.msk $0xffff, v9  }
0x59: {  	s28 =	simm.s32 $0x100;
	v6 =	vperm.xlane.i2c.b16 v6;
	v7 =	vperm.xlane.i2c.b16 v7;
	v9 =	vld [tilespmem:s0+$0x220];
	[tilespmem:s26+$0x0 ss:$0x81] =	vst.msk $0xffff, v11  }
0x5a: {  	s31 =	simm.s32 $0x80;
	s28 =	sand.u32 $0x3C00, s28;
	[tilespmem:s26+$0x3871 ss:$0x81] =	vst.msk $0xffff, v0;
	v0 =	vcombine.low v4, v1;
	v1 =	vcombine.high v4, v1;
	v4 =	vld [tilespmem:s0+$0x230]  }
0x5b: {  	s29 =	sand.u32 $0x180, s31;
	s28 =	sadd.s32 s28, s27;
	[tilespmem:s26+$0x1 ss:$0x81] =	vst.msk $0xffff, v2;
	v2 =	vperm.xlane.i2c.b16 v8;
	v8 =	vperm.xlane.i2c.b16 v10;
	v10 =	vld [tilespmem:s0+$0x240]  }
0x5c: {  	s29 =	sadd.s32 s29, s28;
	[tilespmem:s26+$0x810 ss:$0x81] =	vst.msk $0xffff, v0;
	v0 =	vcombine.low v6, v7;
	v6 =	vcombine.high v6, v7;
	v7 =	vld [tilespmem:s0+$0x250]  }
0x5d: {  	v11 =	vcombine.low v2, v8;
	v2 =	vcombine.high v2, v8;
	v8 =	vld [tilespmem:s29+$0x0];
	[tilespmem:s26+$0x811 ss:$0x81] =	vst.msk $0xffff, v1  }
0x5e: {  	v1 =	vperm.xlane.i2c.b16 v5;
	v5 =	vld [tilespmem:s29+$0x260];
	[tilespmem:s26+$0x1020 ss:$0x81] =	vst.msk $0xffff, v0;
	v0 =	vperm.xlane.i2c.b16 v3  }
0x5f: {  	v3 =	vld [tilespmem:s29+$0x270];
	[tilespmem:s26+$0x1021 ss:$0x81] =	vst.msk $0xffff, v6;
	v6 =	vperm.xlane.i2c.b16 v9  }
0x60: {  	[tilespmem:s26+$0x1830 ss:$0x81] =	vst.msk $0xffff, v11;
	v11 =	vld [tilespmem:s29+$0x10];
	v4 =	vperm.xlane.i2c.b16 v4;
	v9 =	vcombine.low v1, v0  }
0x61: {  	v12 =	vcombine.high v1, v0;
	v0 =	vperm.xlane.i2c.b16 v10  }
0x62: {  	[tilespmem:s26+$0x1831 ss:$0x81] =	vst.msk $0xffff, v2;
	v2 =	vld [tilespmem:s29+$0x20];
	v10 =	vcombine.low v6, v4;
	v1 =	vperm.xlane.i2c.b16 v7  }
0x63: {  	v4 =	vcombine.high v6, v4;
	v8 =	vperm.xlane.i2c.b16 v8;
	[tilespmem:s26+$0x2040 ss:$0x81] =	vst.msk $0xffff, v9;
	v9 =	vld [tilespmem:s29+$0x30]  }
0x64: {  	v6 =	vld [tilespmem:s29+$0x40];
	v5 =	vperm.xlane.i2c.b16 v5;
	[tilespmem:s26+$0x2041 ss:$0x81] =	vst.msk $0xffff, v12;
	v3 =	vperm.xlane.i2c.b16 v3  }
0x65: {  	[tilespmem:s26+$0x2850 ss:$0x81] =	vst.msk $0xffff, v10;
	v10 =	vld [tilespmem:s29+$0x50];
	v12 =	vcombine.low v0, v1;
	v11 =	vperm.xlane.i2c.b16 v11  }
0x66: {  	[tilespmem:s26+$0x2851 ss:$0x81] =	vst.msk $0xffff, v4;
	v4 =	vld [tilespmem:s29+$0x60];
	v13 =	vcombine.low v5, v3  }
0x67: {  	s12 =	smul.u32 $0x10200, s6;
	s28 =	sadd.s32 $0x2, s26;
	v7 =	vperm.xlane.i2c.b16 v2;
	v2 =	vld [tilespmem:s29+$0x70];
	[tilespmem:s26+$0x3060 ss:$0x81] =	vst.msk $0xffff, v12;
	v12 =	vcombine.low v8, v11  }
0x68: {  	v14 =	vcombine.high v5, v3;
	v5 =	vld [tilespmem:s29+$0x200];
	v9 =	vperm.xlane.i2c.b16 v9;
	[tilespmem:s28+$0x3870 ss:$0x81] =	vst.msk $0xffff, v13  }
0x69: {  	s0 =	sshrl.u32 s12, $0x2;
	v11 =	vcombine.high v8, v11;
	v3 =	vld [tilespmem:s29+$0x210];
	v8 =	vperm.xlane.i2c.b16 v6;
	[tilespmem:s28+$0x0 ss:$0x81] =	vst.msk $0xffff, v12  }
0x6a: {  	s6 =	simm.s32 $0x2;
	s30 =	sor.u32 $0x8000, s0;
	s0 =	simm.s32 $0x200;
	v6 =	vld [tilespmem:s29+$0x220];
	[tilespmem:s28+$0x3871 ss:$0x81] =	vst.msk $0xffff, v14;
	v10 =	vperm.xlane.i2c.b16 v10;
	v12 =	vcombine.low v7, v9  }
.LBB1_3:
0x6b: {  	s12 =	sand.u32 $0x3C00, s0;
	[tilespmem:s28+$0x1 ss:$0x81] =	vst.msk $0xffff, v11;
	v7 =	vcombine.high v7, v9;
	v4 =	vperm.xlane.i2c.b16 v4;
	v9 =	vld [tilespmem:s29+$0x230];
	s31 =	sadd.s32 $0x80, s31  }
0x6c: {  	v11 =	vcombine.low v8, v10;
	v2 =	vperm.xlane.i2c.b16 v2;
	s8 =	sand.u32 $0x180, s31;
	s12 =	sadd.s32 s12, s27;
	[tilespmem:s28+$0x810 ss:$0x81] =	vst.msk $0xffff, v12;
	v12 =	vld [tilespmem:s29+$0x240]  }
0x6d: {  	s6 =	sadd.s32 $0x2, s6;
	v5 =	vperm.xlane.i2c.b16 v5;
	[tilespmem:s28+$0x811 ss:$0x81] =	vst.msk $0xffff, v7;
	v7 =	vcombine.high v8, v10;
	v8 =	vld [tilespmem:s29+$0x250];
	s29 =	sadd.s32 s8, s12  }
0x6e: {  	v3 =	vperm.xlane.i2c.b16 v3;
	p1 =	slt.u32 s6, $0x7E;
	v10 =	vld [tilespmem:s29+$0x260];
	[tilespmem:s28+$0x1020 ss:$0x81] =	vst.msk $0xffff, v11;
	v11 =	vcombine.low v4, v2  }
0x6f: {  	v2 =	vcombine.high v4, v2;
	v4 =	vperm.xlane.i2c.b16 v6;
	v13 =	vld [tilespmem:s29+$0x270];
	[tilespmem:s28+$0x1021 ss:$0x81] =	vst.msk $0xffff, v7  }
0x70: {  	v7 =	vcombine.low v5, v3;
	v6 =	vld [tilespmem:s29+$0x0];
	[tilespmem:s28+$0x1830 ss:$0x81] =	vst.msk $0xffff, v11;
	v9 =	vperm.xlane.i2c.b16 v9  }
0x71: {  	v11 =	vld [tilespmem:s29+$0x10];
	[tilespmem:s28+$0x1831 ss:$0x81] =	vst.msk $0xffff, v2;
	v2 =	vcombine.high v5, v3;
	v3 =	vperm.xlane.i2c.b16 v12  }
0x72: {  	v5 =	vld [tilespmem:s29+$0x20];
	[tilespmem:s28+$0x2040 ss:$0x81] =	vst.msk $0xffff, v7;
	v7 =	vcombine.low v4, v9;
	v8 =	vperm.xlane.i2c.b16 v8  }
0x73: {  	v12 =	vld [tilespmem:s29+$0x30];
	[tilespmem:s28+$0x2041 ss:$0x81] =	vst.msk $0xffff, v2;
	v2 =	vcombine.high v4, v9;
	v9 =	vcombine.high v0, v1;
	v0 =	vmov v3  }
0x74: {  	v10 =	vperm.xlane.i2c.b16 v10;
	v3 =	vld [tilespmem:s29+$0x40];
	v13 =	vperm.xlane.i2c.b16 v13;
	[tilespmem:s28+$0x2850 ss:$0x81] =	vst.msk $0xffff, v7;
	v1 =	vmov v8  }
0x75: {  	v6 =	vperm.xlane.i2c.b16 v6;
	v14 =	vld [tilespmem:s29+$0x50];
	[tilespmem:s28+$0x2851 ss:$0x81] =	vst.msk $0xffff, v2;
	v8 =	vcombine.low v0, v1  }
.Ltmp3:
0x76: {  	v11 =	vperm.xlane.i2c.b16 v11;
	v4 =	vld [tilespmem:s29+$0x60];
	v15 =	vcombine.low v10, v13;
	[tilespmem:s26+$0x3061 ss:$0x81] =	vst.msk $0xffff, v9;
	s26 =	smov.u32 s28;
	(pc) =	sbr.rel @p1 .LBB1_3-.Ltmp3, $4  }
0x77: {  	v10 =	vcombine.high v10, v13;
	s28 =	sadd.s32 $0x2, s28;
	v7 =	vperm.xlane.i2c.b16 v5;
	v2 =	vld [tilespmem:s29+$0x70];
	[tilespmem:s26+$0x3060 ss:$0x81] =	vst.msk $0xffff, v8  }
0x78: {  	v13 =	vcombine.low v6, v11;
	v9 =	vperm.xlane.i2c.b16 v12;
	v5 =	vld [tilespmem:s29+$0x200];
	[tilespmem:s28+$0x3870 ss:$0x81] =	vst.msk $0xffff, v15  }
0x79: {  	v11 =	vcombine.high v6, v11;
	v8 =	vperm.xlane.i2c.b16 v3;
	v3 =	vld [tilespmem:s29+$0x210];
	[tilespmem:s28+$0x3871 ss:$0x81] =	vst.msk $0xffff, v10  }
0x7a: {  	s0 =	sadd.s32 $0x100, s0;
	[tilespmem:s28+$0x0 ss:$0x81] =	vst.msk $0xffff, v13;
	v12 =	vcombine.low v7, v9;
	v10 =	vperm.xlane.i2c.b16 v14;
	v6 =	vld [tilespmem:s29+$0x220]  }
.Ltmp4:
0x7b: {  	_ = 	snop;
	(pc) =	sbr.rel .LBB1_4-.Ltmp4, $1  }
0x7c: {  	_ =	sdelay $0x3  }
.LBB1_6:
0x7d: {  	_ =	sfence.sel $0x180000  }
0x7e: {  	s0 =	simm.s32 $0x1;
	[bflag:$0x0] =	sbarrier.arrive $0xFFFF  }
0x7f: {  	s30 =	simm.s32 $0x2;
	[sflag:s0] =	ssyncpa.u1 $0x1  }
0x80: {  	[sflag:s30] =	ssyncpa.u1 $0x1  }
0x81: {  	_ =	strace $0x90000047  }
0x82: {  	s31 =	stileid.u32;
	[bflag:$0x2] =	sbarrier.arrive $0xFFFF  }
0x83: {  	p0 =	sne.s32 s31, $0x0;
	s0 =	rddreg [dreg:$0x1]  }
0x84: {  	s0 =	sadd.s32 @!p0 $0x100000, s0  }
0x85: {  	[sflag:s0] =	ssyncadd.tile.s32 @!p0 $0x1;
	_ =	shalt  }
.Lfunc_end1:
_tile_overlayer_lowered:
.L_overlay_start_2:
0x86: {  	(tag) =	ssettag $0x2  }
0x87: {  	s0 =	rddreg [dreg:$0x0];
	s2 =	stileid.u32  }
0x88: {  	s1 =	rddreg [dreg:$0x1];
	p0 =	sne.s32 s2, $0x0  }
0x89: {  	s3 =	rddreg [dreg:$0x2];
	[bflag:$0x3] =	sbarrier.arrive $0xFFFF;
	s2 =	simm.s32 @!p0 $0x1C01  }
0x8a: {  	[timem:s3], [sflag:s2] =	dma.local @!p0 [hbm:s0], s1  }
0x8b: {  	s0 =	simm.s32 @!p0 $0x1  }
0x8c: {  	_ =	swait.ge @!p0 [sflag:s0], s1  }
0x8d: {  	s1 =	ssub.s32 @!p0 $0x0, s1;
	[sflag:s0] =	ssyncset.done @!p0 $0x0  }
0x8e: {  	[sflag:s0] =	ssyncadd.s32 @!p0 s1  }
0x8f: {  	[bflag:$0x3] =	sbarrier.arrive $0xFFFF  }
0x90: {  	_ =	shalt  }

</sc_bundles>
